<compile_context>
chip_gen: v7x
topology: tpu7x:2x2x1
jax: 0.10.2.dev20260603
libtpu: 0.0.44.dev20260713+nightly
codegen_flags: <defaults>
</compile_context>

<pallas_src>
import jax
import jax.numpy as jnp
from jax.experimental import pallas as pl
from jax.experimental.pallas import tpu as pltpu

E = 64
TOPK = 2
D = 1024
DFF = 1024
T = 2048
SOFTCAP = 30.0

B = 64
MAXB = (T * TOPK) // B + (E - 1)
A = T * TOPK


def _shift_cumsum(a):
    n = a.shape[0]
    s = 1
    while s < n:
        a = a + jnp.concatenate([jnp.zeros((s,) + a.shape[1:], a.dtype), a[:-s]], axis=0)
        s *= 2
    return a


def _route_body(x_ref, wg_ref, w_ref, pp_ref, be_ref, sz_ref):
    x = x_ref[...]
    logits = jnp.dot(x, wg_ref[...], preferred_element_type=jnp.float32)
    capped = SOFTCAP * jnp.tanh(logits / SOFTCAP)
    probs = jax.nn.softmax(capped, axis=-1)
    i1 = jnp.argmax(probs, axis=-1)
    w1 = jnp.max(probs, axis=-1)
    cols = jax.lax.broadcasted_iota(jnp.int32, probs.shape, 1)
    masked = jnp.where(cols == i1[:, None], -jnp.inf, probs)
    i2 = jnp.argmax(masked, axis=-1)
    w2 = jnp.max(masked, axis=-1)
    w_ref[...] = jnp.stack([w1, w2], axis=-1)

    flat_e = jnp.concatenate([i1[:, None], i2[:, None]], axis=0).astype(jnp.int32)
    erange = jax.lax.broadcasted_iota(jnp.int32, (A, E), 1)
    oh = (flat_e == erange).astype(jnp.float32)
    ic = _shift_cumsum(oh)
    rank = jnp.sum(ic * oh, axis=-1) - 1.0
    counts = ic[A - 1, :]

    nb = jnp.floor((counts + (B - 1)) / B)
    c_pad = nb * B
    tri_lo = (jax.lax.broadcasted_iota(jnp.int32, (E, E), 0)
              < jax.lax.broadcasted_iota(jnp.int32, (E, E), 1)).astype(jnp.float32)
    g_off = jnp.dot(c_pad[None, :], tri_lo,
                    preferred_element_type=jnp.float32)[0]
    pp = jnp.sum(oh * g_off[None, :], axis=-1) + rank
    pp_ref[...] = pp.astype(jnp.int32).reshape(TOPK, T)

    nb_cum = jnp.dot(nb[None, :], tri_lo, preferred_element_type=jnp.float32)[0] + nb
    total_nb = nb_cum[E - 1]
    bi = jax.lax.broadcasted_iota(jnp.int32, (1, 128), 1).astype(jnp.float32)
    be_raw = jnp.sum((nb_cum[None, None, :] <= bi[:, :, None]).astype(jnp.float32),
                     axis=-1)
    be_last = jnp.sum((nb_cum <= total_nb - 1).astype(jnp.float32))
    valid = bi < total_nb
    be = jnp.where(valid, be_raw, be_last)
    ohb = (be[:, :, None] == jax.lax.broadcasted_iota(jnp.int32, (1, 128, E), 2
           ).astype(jnp.float32)).astype(jnp.float32)
    counts_b = jnp.sum(ohb * counts[None, None, :], axis=-1)
    nboff_b = jnp.sum(ohb * (nb_cum - nb)[None, None, :], axis=-1)
    size = jnp.clip(counts_b - (bi - nboff_b) * B, 0.0, float(B))
    size = jnp.where(valid, size, 0.0)
    be_ref[...] = be.astype(jnp.int32)
    sz_ref[...] = size.astype(jnp.int32)


def _route(x, wg):
    return pl.pallas_call(
        _route_body,
        out_shape=(
            jax.ShapeDtypeStruct((T, TOPK), jnp.float32),
            jax.ShapeDtypeStruct((TOPK, T), jnp.int32),
            jax.ShapeDtypeStruct((1, 128), jnp.int32),
            jax.ShapeDtypeStruct((1, 128), jnp.int32),
        ),
    )(x, wg)


def _ffn_body(be_ref, sz_ref, xs_ref, w1_ref, w3_ref, w2_ref, ys_ref):
    i = pl.program_id(0)

    @pl.when(sz_ref[i] > 0)
    def _():
        xb = xs_ref[...]
        h = jax.nn.gelu(
            jnp.dot(xb, w1_ref[0], preferred_element_type=jnp.float32)
        ) * jnp.dot(xb, w3_ref[0], preferred_element_type=jnp.float32)
        ys_ref[...] = jnp.dot(h, w2_ref[0], preferred_element_type=jnp.float32)


def _ffn(xs, w1, w3, w2, block_expert, block_size):
    grid_spec = pltpu.PrefetchScalarGridSpec(
        num_scalar_prefetch=2,
        grid=(MAXB,),
        in_specs=[
            pl.BlockSpec((B, D), lambda i, be, sz: (i, 0)),
            pl.BlockSpec((1, D, DFF), lambda i, be, sz: (be[i], 0, 0)),
            pl.BlockSpec((1, D, DFF), lambda i, be, sz: (be[i], 0, 0)),
            pl.BlockSpec((1, DFF, D), lambda i, be, sz: (be[i], 0, 0)),
        ],
        out_specs=pl.BlockSpec((B, D), lambda i, be, sz: (i, 0)),
    )
    return pl.pallas_call(
        _ffn_body,
        grid_spec=grid_spec,
        out_shape=jax.ShapeDtypeStruct((MAXB * B, D), jnp.float32),
    )(block_expert, block_size, xs, w1, w3, w2)


def kernel(hidden_states, Wg, W1, W3, W2):
    x = hidden_states
    topk_w, pp, be, sz = _route(x, Wg)
    be = be[0, :MAXB]
    sz = sz[0, :MAXB]

    xs = jnp.zeros((MAXB * B, D), jnp.float32)
    xs = xs.at[pp[0]].set(x)
    xs = xs.at[pp[1]].set(x)

    ys = _ffn(xs, W1, W3, W2, be, sz)

    out = (topk_w[:, 0:1] * jnp.take(ys, pp[0], axis=0)
           + topk_w[:, 1:2] * jnp.take(ys, pp[1], axis=0))
    return out

# --- scband reference (transcript-rebuilt; emitter-appended) ---
"""Pipeline reference for scband-grok1-mo-e-23261542875712 (READ-ONLY COPY).

The authoritative reference and input builder live on the scoring server;
editing this copy changes nothing except your own understanding.
"""

import jax, jax.numpy as jnp
import numpy as np

E = 64
TOPK = 2
D = 1024
DFF = 1024
T = 2048
SOFTCAP = 30.0


def setup_inputs(seed: int = 0) -> dict:
    key = jax.random.key(seed)
    ks = jax.random.split(key, 5)
    x = jax.random.normal(ks[0], (T, D), dtype=jnp.float32)
    Wg = jax.random.normal(ks[1], (D, E), dtype=jnp.float32) * 0.02
    W1 = jax.random.normal(ks[2], (E, D, DFF), dtype=jnp.float32) * 0.02
    W3 = jax.random.normal(ks[3], (E, D, DFF), dtype=jnp.float32) * 0.02
    W2 = jax.random.normal(ks[4], (E, DFF, D), dtype=jnp.float32) * 0.02
    return {"hidden_states": x, "Wg": Wg, "W1": W1, "W3": W3, "W2": W2}


def reference(hidden_states, Wg, W1, W3, W2):
    x = hidden_states
    # Grok1 router: fp32 gate + logit softcapping, then softmax + top-k (no renormalize)
    logits = x.astype(jnp.float32) @ Wg
    capped = SOFTCAP * jnp.tanh(logits / SOFTCAP)
    probs = jax.nn.softmax(capped, axis=-1)
    topk_w, topk_ids = jax.lax.top_k(probs, TOPK)
    out = jnp.zeros((T, D), dtype=jnp.float32)
    for e in range(E):
        w_e = jnp.sum(jnp.where(topk_ids == e, topk_w, jnp.zeros_like(topk_w)), axis=-1)
        h = jax.nn.gelu(x @ W1[e]) * (x @ W3[e])
        ye = h @ W2[e]
        out = out + ye * w_e[:, None]
    return out

if __name__ == "__main__":
    import jax
    _d = setup_inputs()
    print(jax.jit(kernel)(*tuple(_d.values())))

</pallas_src>

<mosaic_0001>
module attributes {stable_mosaic.version = 14 : i64} {
  func.func @_route_body(%arg0: memref<2048x1024xf32, #tpu.memory_space<vmem>>, %arg1: memref<1024x64xf32, #tpu.memory_space<vmem>>, %arg2: memref<2048x2xf32, #tpu.memory_space<vmem>>, %arg3: memref<2x2048xi32, #tpu.memory_space<vmem>>, %arg4: memref<1x128xi32, #tpu.memory_space<vmem>>, %arg5: memref<1x128xi32, #tpu.memory_space<vmem>>) attributes {dimension_semantics = [], scalar_prefetch = 0 : i64, scratch_operands = 0 : i64, tpu.core_type = #tpu.core_type<tc>} {
    %get3A = arith.constant 0 : index
    %get3A_0 = arith.constant 0 : index
    %get3A_1 = vector.load %arg0[%get3A, %get3A_0] : memref<2048x1024xf32, #tpu.memory_space<vmem>>, vector<2048x1024xf32>
    %get3A_2 = arith.constant 0 : index
    %get3A_3 = arith.constant 0 : index
    %get3A_4 = vector.load %arg1[%get3A_2, %get3A_3] : memref<1024x64xf32, #tpu.memory_space<vmem>>, vector<1024x64xf32>
    %dot_general3A = arith.constant dense<0.000000e+00> : vector<2048x64xf32>
    %dot_general3A_5 = tpu.matmul %get3A_1, %get3A_4, %dot_general3A {dimension_numbers = #tpu.dot_dimension_numbers<[1], [0], [0], [1], [0, 0, 1, 1], [], []>, transpose_lhs_hint = false} : vector<2048x1024xf32>, vector<1024x64xf32>, vector<2048x64xf32> -> vector<2048x64xf32>
    %div3A = arith.constant 3.000000e+01 : f32
    %div3A_6 = vector.broadcast %div3A : f32 to vector<2048x64xf32>
    %div3A_7 = arith.divf %dot_general3A_5, %div3A_6 : vector<2048x64xf32>
    %tanh3A = math.tanh %div3A_7 : vector<2048x64xf32>
    %mul3A = arith.constant 3.000000e+01 : f32
    %mul3A_8 = vector.broadcast %mul3A : f32 to vector<2048x64xf32>
    %mul3A_9 = arith.mulf %mul3A_8, %tanh3A : vector<2048x64xf32>
    %reduce_max3A = arith.constant dense<0xFF800000> : vector<2048xf32>
    %reduce_max3A_10 = vector.multi_reduction <maximumf>, %mul3A_9, %reduce_max3A [1] : vector<2048x64xf32> to vector<2048xf32>
    %max3A = arith.constant 0xFF800000 : f32
    %max3A_11 = vector.broadcast %max3A : f32 to vector<2048xf32>
    %max3A_12 = arith.maximumf %max3A_11, %reduce_max3A_10 : vector<2048xf32>
    %broadcast_in_dim3A = vector.shape_cast %max3A_12 : vector<2048xf32> to vector<2048x1xf32>
    %sub3A = vector.broadcast %broadcast_in_dim3A : vector<2048x1xf32> to vector<2048x64xf32>
    %sub3A_13 = arith.subf %mul3A_9, %sub3A : vector<2048x64xf32>
    %exp3A = math.exp %sub3A_13 : vector<2048x64xf32>
    %reduce_sum3A = arith.constant dense<0.000000e+00> : vector<2048xf32>
    %reduce_sum3A_14 = vector.multi_reduction <add>, %exp3A, %reduce_sum3A [1] : vector<2048x64xf32> to vector<2048xf32>
    %broadcast_in_dim3A_15 = vector.shape_cast %reduce_sum3A_14 : vector<2048xf32> to vector<2048x1xf32>
    %div3A_16 = vector.broadcast %broadcast_in_dim3A_15 : vector<2048x1xf32> to vector<2048x64xf32>
    %div3A_17 = arith.divf %exp3A, %div3A_16 : vector<2048x64xf32>
    %argmax3A = tpu.reduce_index %div3A_17 {axis = 1 : i32, kind = #tpu.reduction_kind<arg_max>} : vector<2048x64xf32> -> vector<2048xi32>
    %reduce_max3A_18 = arith.constant dense<0xFF800000> : vector<2048xf32>
    %reduce_max3A_19 = vector.multi_reduction <maximumf>, %div3A_17, %reduce_max3A_18 [1] : vector<2048x64xf32> to vector<2048xf32>
    %iota3A = tpu.iota {dimensions = array<i32: 1>} : vector<2048x64xi32>
    %broadcast_in_dim3A_20 = vector.shape_cast %argmax3A : vector<2048xi32> to vector<2048x1xi32>
    %eq3A = vector.broadcast %broadcast_in_dim3A_20 : vector<2048x1xi32> to vector<2048x64xi32>
    %eq3A_21 = arith.cmpi eq, %iota3A, %eq3A : vector<2048x64xi32>
    %jit3A = arith.constant 0xFF800000 : f32
    %broadcast_in_dim3A_22 = vector.broadcast %jit3A : f32 to vector<2048x64xf32>
    %select_n3A = arith.select %eq3A_21, %broadcast_in_dim3A_22, %div3A_17 : vector<2048x64xi1>, vector<2048x64xf32>
    %argmax3A_23 = tpu.reduce_index %select_n3A {axis = 1 : i32, kind = #tpu.reduction_kind<arg_max>} : vector<2048x64xf32> -> vector<2048xi32>
    %reduce_max3A_24 = arith.constant dense<0xFF800000> : vector<2048xf32>
    %reduce_max3A_25 = vector.multi_reduction <maximumf>, %select_n3A, %reduce_max3A_24 [1] : vector<2048x64xf32> to vector<2048xf32>
    %stack3A = vector.shape_cast %reduce_max3A_19 : vector<2048xf32> to vector<2048x1xf32>
    %stack3A_26 = vector.shape_cast %reduce_max3A_25 : vector<2048xf32> to vector<2048x1xf32>
    %stack3A_27 = tpu.concatenate %stack3A, %stack3A_26 in 1 : vector<2048x1xf32>, vector<2048x1xf32> -> vector<2048x2xf32>
    %swap3A = arith.constant 0 : index
    %swap3A_28 = arith.constant 0 : index
    %swap3A_29 = vector.load %arg2[%swap3A, %swap3A_28] : memref<2048x2xf32, #tpu.memory_space<vmem>>, vector<2048x2xf32>
    tpu.vector_store %arg2[%swap3A, %swap3A_28], %stack3A_27 {strides = array<i32>} : memref<2048x2xf32, #tpu.memory_space<vmem>>, vector<2048x2xf32>,
    %broadcast_in_dim3A_30 = vector.shape_cast %argmax3A : vector<2048xi32> to vector<2048x1xi32>
    %broadcast_in_dim3A_31 = vector.shape_cast %argmax3A_23 : vector<2048xi32> to vector<2048x1xi32>
    %concatenate3A = tpu.concatenate %broadcast_in_dim3A_30, %broadcast_in_dim3A_31 in 0 : vector<2048x1xi32>, vector<2048x1xi32> -> vector<4096x1xi32>
    %iota3A_32 = tpu.iota {dimensions = array<i32: 1>} : vector<4096x64xi32>
    %eq3A_33 = vector.broadcast %concatenate3A : vector<4096x1xi32> to vector<4096x64xi32>
    %eq3A_34 = arith.cmpi eq, %eq3A_33, %iota3A_32 : vector<4096x64xi32>
    %convert_element_type3A = arith.extui %eq3A_34 : vector<4096x64xi1> to vector<4096x64xi32>
    %convert_element_type3A_35 = arith.sitofp %convert_element_type3A : vector<4096x64xi32> to vector<4096x64xf32>
    %broadcast_in_dim3A_36 = arith.constant 0.000000e+00 : f32
    %broadcast_in_dim3A_37 = vector.broadcast %broadcast_in_dim3A_36 : f32 to vector<1x64xf32>
    %slice3A = vector.extract_strided_slice %convert_element_type3A_35 {offsets = [0, 0], sizes = [4095, 64], strides = [1, 1]} : vector<4096x64xf32> to vector<4095x64xf32>
    %concatenate3A_38 = tpu.concatenate %broadcast_in_dim3A_37, %slice3A in 0 : vector<1x64xf32>, vector<4095x64xf32> -> vector<4096x64xf32>
    %add3A = arith.addf %convert_element_type3A_35, %concatenate3A_38 : vector<4096x64xf32>
    %broadcast_in_dim3A_39 = arith.constant 0.000000e+00 : f32
    %broadcast_in_dim3A_40 = vector.broadcast %broadcast_in_dim3A_39 : f32 to vector<2x64xf32>
    %slice3A_41 = vector.extract_strided_slice %add3A {offsets = [0, 0], sizes = [4094, 64], strides = [1, 1]} : vector<4096x64xf32> to vector<4094x64xf32>
    %concatenate3A_42 = tpu.concatenate %broadcast_in_dim3A_40, %slice3A_41 in 0 : vector<2x64xf32>, vector<4094x64xf32> -> vector<4096x64xf32>
    %add3A_43 = arith.addf %add3A, %concatenate3A_42 : vector<4096x64xf32>
    %broadcast_in_dim3A_44 = arith.constant 0.000000e+00 : f32
    %broadcast_in_dim3A_45 = vector.broadcast %broadcast_in_dim3A_44 : f32 to vector<4x64xf32>
    %slice3A_46 = vector.extract_strided_slice %add3A_43 {offsets = [0, 0], sizes = [4092, 64], strides = [1, 1]} : vector<4096x64xf32> to vector<4092x64xf32>
    %concatenate3A_47 = tpu.concatenate %broadcast_in_dim3A_45, %slice3A_46 in 0 : vector<4x64xf32>, vector<4092x64xf32> -> vector<4096x64xf32>
    %add3A_48 = arith.addf %add3A_43, %concatenate3A_47 : vector<4096x64xf32>
    %broadcast_in_dim3A_49 = arith.constant 0.000000e+00 : f32
    %broadcast_in_dim3A_50 = vector.broadcast %broadcast_in_dim3A_49 : f32 to vector<8x64xf32>
    %slice3A_51 = vector.extract_strided_slice %add3A_48 {offsets = [0, 0], sizes = [4088, 64], strides = [1, 1]} : vector<4096x64xf32> to vector<4088x64xf32>
    %concatenate3A_52 = tpu.concatenate %broadcast_in_dim3A_50, %slice3A_51 in 0 : vector<8x64xf32>, vector<4088x64xf32> -> vector<4096x64xf32>
    %add3A_53 = arith.addf %add3A_48, %concatenate3A_52 : vector<4096x64xf32>
    %broadcast_in_dim3A_54 = arith.constant 0.000000e+00 : f32
    %broadcast_in_dim3A_55 = vector.broadcast %broadcast_in_dim3A_54 : f32 to vector<16x64xf32>
    %slice3A_56 = vector.extract_strided_slice %add3A_53 {offsets = [0, 0], sizes = [4080, 64], strides = [1, 1]} : vector<4096x64xf32> to vector<4080x64xf32>
    %concatenate3A_57 = tpu.concatenate %broadcast_in_dim3A_55, %slice3A_56 in 0 : vector<16x64xf32>, vector<4080x64xf32> -> vector<4096x64xf32>
    %add3A_58 = arith.addf %add3A_53, %concatenate3A_57 : vector<4096x64xf32>
    %broadcast_in_dim3A_59 = arith.constant 0.000000e+00 : f32
    %broadcast_in_dim3A_60 = vector.broadcast %broadcast_in_dim3A_59 : f32 to vector<32x64xf32>
    %slice3A_61 = vector.extract_strided_slice %add3A_58 {offsets = [0, 0], sizes = [4064, 64], strides = [1, 1]} : vector<4096x64xf32> to vector<4064x64xf32>
    %concatenate3A_62 = tpu.concatenate %broadcast_in_dim3A_60, %slice3A_61 in 0 : vector<32x64xf32>, vector<4064x64xf32> -> vector<4096x64xf32>
    %add3A_63 = arith.addf %add3A_58, %concatenate3A_62 : vector<4096x64xf32>
    %broadcast_in_dim3A_64 = arith.constant 0.000000e+00 : f32
    %broadcast_in_dim3A_65 = vector.broadcast %broadcast_in_dim3A_64 : f32 to vector<64x64xf32>
    %slice3A_66 = vector.extract_strided_slice %add3A_63 {offsets = [0, 0], sizes = [4032, 64], strides = [1, 1]} : vector<4096x64xf32> to vector<4032x64xf32>
    %concatenate3A_67 = tpu.concatenate %broadcast_in_dim3A_65, %slice3A_66 in 0 : vector<64x64xf32>, vector<4032x64xf32> -> vector<4096x64xf32>
    %add3A_68 = arith.addf %add3A_63, %concatenate3A_67 : vector<4096x64xf32>
    %broadcast_in_dim3A_69 = arith.constant 0.000000e+00 : f32
    %broadcast_in_dim3A_70 = vector.broadcast %broadcast_in_dim3A_69 : f32 to vector<128x64xf32>
    %slice3A_71 = vector.extract_strided_slice %add3A_68 {offsets = [0, 0], sizes = [3968, 64], strides = [1, 1]} : vector<4096x64xf32> to vector<3968x64xf32>
    %concatenate3A_72 = tpu.concatenate %broadcast_in_dim3A_70, %slice3A_71 in 0 : vector<128x64xf32>, vector<3968x64xf32> -> vector<4096x64xf32>
    %add3A_73 = arith.addf %add3A_68, %concatenate3A_72 : vector<4096x64xf32>
    %broadcast_in_dim3A_74 = arith.constant 0.000000e+00 : f32
    %broadcast_in_dim3A_75 = vector.broadcast %broadcast_in_dim3A_74 : f32 to vector<256x64xf32>
    %slice3A_76 = vector.extract_strided_slice %add3A_73 {offsets = [0, 0], sizes = [3840, 64], strides = [1, 1]} : vector<4096x64xf32> to vector<3840x64xf32>
    %concatenate3A_77 = tpu.concatenate %broadcast_in_dim3A_75, %slice3A_76 in 0 : vector<256x64xf32>, vector<3840x64xf32> -> vector<4096x64xf32>
    %add3A_78 = arith.addf %add3A_73, %concatenate3A_77 : vector<4096x64xf32>
    %broadcast_in_dim3A_79 = arith.constant 0.000000e+00 : f32
    %broadcast_in_dim3A_80 = vector.broadcast %broadcast_in_dim3A_79 : f32 to vector<512x64xf32>
    %slice3A_81 = vector.extract_strided_slice %add3A_78 {offsets = [0, 0], sizes = [3584, 64], strides = [1, 1]} : vector<4096x64xf32> to vector<3584x64xf32>
    %concatenate3A_82 = tpu.concatenate %broadcast_in_dim3A_80, %slice3A_81 in 0 : vector<512x64xf32>, vector<3584x64xf32> -> vector<4096x64xf32>
    %add3A_83 = arith.addf %add3A_78, %concatenate3A_82 : vector<4096x64xf32>
    %broadcast_in_dim3A_84 = arith.constant 0.000000e+00 : f32
    %broadcast_in_dim3A_85 = vector.broadcast %broadcast_in_dim3A_84 : f32 to vector<1024x64xf32>
    %slice3A_86 = vector.extract_strided_slice %add3A_83 {offsets = [0, 0], sizes = [3072, 64], strides = [1, 1]} : vector<4096x64xf32> to vector<3072x64xf32>
    %concatenate3A_87 = tpu.concatenate %broadcast_in_dim3A_85, %slice3A_86 in 0 : vector<1024x64xf32>, vector<3072x64xf32> -> vector<4096x64xf32>
    %add3A_88 = arith.addf %add3A_83, %concatenate3A_87 : vector<4096x64xf32>
    %broadcast_in_dim3A_89 = arith.constant 0.000000e+00 : f32
    %broadcast_in_dim3A_90 = vector.broadcast %broadcast_in_dim3A_89 : f32 to vector<2048x64xf32>
    %slice3A_91 = vector.extract_strided_slice %add3A_88 {offsets = [0, 0], sizes = [2048, 64], strides = [1, 1]} : vector<4096x64xf32> to vector<2048x64xf32>
    %concatenate3A_92 = tpu.concatenate %broadcast_in_dim3A_90, %slice3A_91 in 0 : vector<2048x64xf32>, vector<2048x64xf32> -> vector<4096x64xf32>
    %add3A_93 = arith.addf %add3A_88, %concatenate3A_92 : vector<4096x64xf32>
    %mul3A_94 = arith.mulf %add3A_93, %convert_element_type3A_35 : vector<4096x64xf32>
    %reduce_sum3A_95 = arith.constant dense<0.000000e+00> : vector<4096xf32>
    %reduce_sum3A_96 = vector.multi_reduction <add>, %mul3A_94, %reduce_sum3A_95 [1] : vector<4096x64xf32> to vector<4096xf32>
    %sub3A_97 = arith.constant 1.000000e+00 : f32
    %sub3A_98 = vector.broadcast %sub3A_97 : f32 to vector<4096xf32>
    %sub3A_99 = arith.subf %reduce_sum3A_96, %sub3A_98 : vector<4096xf32>
    %slice3A_100 = vector.extract_strided_slice %add3A_93 {offsets = [4095, 0], sizes = [1, 64], strides = [1, 1]} : vector<4096x64xf32> to vector<1x64xf32>
    %squeeze3A = vector.shape_cast %slice3A_100 : vector<1x64xf32> to vector<64xf32>
    %add3A_101 = arith.constant 6.300000e+01 : f32
    %add3A_102 = vector.broadcast %add3A_101 : f32 to vector<64xf32>
    %add3A_103 = arith.addf %squeeze3A, %add3A_102 : vector<64xf32>
    %div3A_104 = arith.constant 6.400000e+01 : f32
    %div3A_105 = vector.broadcast %div3A_104 : f32 to vector<64xf32>
    %div3A_106 = arith.divf %add3A_103, %div3A_105 : vector<64xf32>
    %floor3A = math.floor %div3A_106 : vector<64xf32>
    %mul3A_107 = arith.constant 6.400000e+01 : f32
    %mul3A_108 = vector.broadcast %mul3A_107 : f32 to vector<64xf32>
    %mul3A_109 = arith.mulf %floor3A, %mul3A_108 : vector<64xf32>
    %iota3A_110 = tpu.iota {dimensions = array<i32: 0>} : vector<64x64xi32>
    %iota3A_111 = tpu.iota {dimensions = array<i32: 1>} : vector<64x64xi32>
    %lt3A = arith.cmpi slt, %iota3A_110, %iota3A_111 : vector<64x64xi32>
    %convert_element_type3A_112 = arith.extui %lt3A : vector<64x64xi1> to vector<64x64xi32>
    %convert_element_type3A_113 = arith.sitofp %convert_element_type3A_112 : vector<64x64xi32> to vector<64x64xf32>
    %broadcast_in_dim3A_114 = vector.shape_cast %mul3A_109 : vector<64xf32> to vector<1x64xf32>
    %dot_general3A_115 = arith.constant dense<0.000000e+00> : vector<1x64xf32>
    %dot_general3A_116 = tpu.matmul %broadcast_in_dim3A_114, %convert_element_type3A_113, %dot_general3A_115 {dimension_numbers = #tpu.dot_dimension_numbers<[1], [0], [0], [1], [0, 0, 1, 1], [], []>, transpose_lhs_hint = false} : vector<1x64xf32>, vector<64x64xf32>, vector<1x64xf32> -> vector<1x64xf32>
    %squeeze3A_117 = vector.shape_cast %dot_general3A_116 : vector<1x64xf32> to vector<64xf32>
    %broadcast_in_dim3A_118 = vector.shape_cast %squeeze3A_117 : vector<64xf32> to vector<1x64xf32>
    %mul3A_119 = vector.broadcast %broadcast_in_dim3A_118 : vector<1x64xf32> to vector<4096x64xf32>
    %mul3A_120 = arith.mulf %convert_element_type3A_35, %mul3A_119 : vector<4096x64xf32>
    %reduce_sum3A_121 = arith.constant dense<0.000000e+00> : vector<4096xf32>
    %reduce_sum3A_122 = vector.multi_reduction <add>, %mul3A_120, %reduce_sum3A_121 [1] : vector<4096x64xf32> to vector<4096xf32>
    %add3A_123 = arith.addf %reduce_sum3A_122, %sub3A_99 : vector<4096xf32>
    %convert_element_type3A_124 = arith.fptosi %add3A_123 : vector<4096xf32> to vector<4096xi32>
    %reshape3A = vector.shape_cast %convert_element_type3A_124 : vector<4096xi32> to vector<2x2048xi32>
    %swap3A_125 = arith.constant 0 : index
    %swap3A_126 = arith.constant 0 : index
    %swap3A_127 = vector.load %arg3[%swap3A_125, %swap3A_126] : memref<2x2048xi32, #tpu.memory_space<vmem>>, vector<2x2048xi32>
    tpu.vector_store %arg3[%swap3A_125, %swap3A_126], %reshape3A {strides = array<i32>} : memref<2x2048xi32, #tpu.memory_space<vmem>>, vector<2x2048xi32>,
    %broadcast_in_dim3A_128 = vector.shape_cast %floor3A : vector<64xf32> to vector<1x64xf32>
    %dot_general3A_129 = arith.constant dense<0.000000e+00> : vector<1x64xf32>
    %dot_general3A_130 = tpu.matmul %broadcast_in_dim3A_128, %convert_element_type3A_113, %dot_general3A_129 {dimension_numbers = #tpu.dot_dimension_numbers<[1], [0], [0], [1], [0, 0, 1, 1], [], []>, transpose_lhs_hint = false} : vector<1x64xf32>, vector<64x64xf32>, vector<1x64xf32> -> vector<1x64xf32>
    %squeeze3A_131 = vector.shape_cast %dot_general3A_130 : vector<1x64xf32> to vector<64xf32>
    %add3A_132 = arith.addf %squeeze3A_131, %floor3A : vector<64xf32>
    %slice3A_133 = vector.extract_strided_slice %add3A_132 {offsets = [63], sizes = [1], strides = [1]} : vector<64xf32> to vector<1xf32>
    %squeeze3A_134 = vector.extract %slice3A_133[0] : f32 from vector<1xf32>
    %iota3A_135 = tpu.iota {dimensions = array<i32: 1>} : vector<1x128xi32>
    %convert_element_type3A_136 = arith.sitofp %iota3A_135 : vector<1x128xi32> to vector<1x128xf32>
    %broadcast_in_dim3A_137 = vector.shape_cast %add3A_132 : vector<64xf32> to vector<1x1x64xf32>
    %broadcast_in_dim3A_138 = vector.shape_cast %convert_element_type3A_136 : vector<1x128xf32> to vector<1x128x1xf32>
    %le3A = vector.broadcast %broadcast_in_dim3A_137 : vector<1x1x64xf32> to vector<1x128x64xf32>
    %le3A_139 = vector.broadcast %broadcast_in_dim3A_138 : vector<1x128x1xf32> to vector<1x128x64xf32>
    %le3A_140 = arith.cmpf ole, %le3A, %le3A_139 : vector<1x128x64xf32>
    %convert_element_type3A_141 = arith.extui %le3A_140 : vector<1x128x64xi1> to vector<1x128x64xi32>
    %convert_element_type3A_142 = arith.sitofp %convert_element_type3A_141 : vector<1x128x64xi32> to vector<1x128x64xf32>
    %reduce_sum3A_143 = arith.constant dense<0.000000e+00> : vector<1x128xf32>
    %reduce_sum3A_144 = vector.multi_reduction <add>, %convert_element_type3A_142, %reduce_sum3A_143 [2] : vector<1x128x64xf32> to vector<1x128xf32>
    %sub3A_145 = arith.constant 1.000000e+00 : f32
    %sub3A_146 = arith.subf %squeeze3A_134, %sub3A_145 : f32
    %le3A_147 = vector.broadcast %sub3A_146 : f32 to vector<64xf32>
    %le3A_148 = arith.cmpf ole, %add3A_132, %le3A_147 : vector<64xf32>
    %convert_element_type3A_149 = arith.extui %le3A_148 : vector<64xi1> to vector<64xi32>
    %convert_element_type3A_150 = arith.sitofp %convert_element_type3A_149 : vector<64xi32> to vector<64xf32>
    %reduce_sum3A_151 = vector.shape_cast %convert_element_type3A_150 : vector<64xf32> to vector<1x64xf32>
    %reduce_sum3A_152 = arith.constant dense<0.000000e+00> : vector<1xf32>
    %reduce_sum3A_153 = vector.multi_reduction <add>, %reduce_sum3A_151, %reduce_sum3A_152 [1] : vector<1x64xf32> to vector<1xf32>
    %reduce_sum3A_154 = vector.shape_cast %reduce_sum3A_153 : vector<1xf32> to vector<1x1xf32>
    %reduce_sum3A_155 = vector.extract %reduce_sum3A_154[0, 0] : f32 from vector<1x1xf32>
    %lt3A_156 = vector.broadcast %squeeze3A_134 : f32 to vector<1x128xf32>
    %lt3A_157 = arith.cmpf olt, %convert_element_type3A_136, %lt3A_156 : vector<1x128xf32>
    %broadcast_in_dim3A_158 = vector.broadcast %reduce_sum3A_155 : f32 to vector<1x128xf32>
    %select_n3A_159 = arith.select %lt3A_157, %reduce_sum3A_144, %broadcast_in_dim3A_158 : vector<1x128xi1>, vector<1x128xf32>
    %broadcast_in_dim3A_160 = vector.shape_cast %select_n3A_159 : vector<1x128xf32> to vector<1x128x1xf32>
    %iota3A_161 = tpu.iota {dimensions = array<i32: 2>} : vector<1x128x64xi32>
    %convert_element_type3A_162 = arith.sitofp %iota3A_161 : vector<1x128x64xi32> to vector<1x128x64xf32>
    %eq3A_163 = vector.broadcast %broadcast_in_dim3A_160 : vector<1x128x1xf32> to vector<1x128x64xf32>
    %eq3A_164 = arith.cmpf oeq, %eq3A_163, %convert_element_type3A_162 : vector<1x128x64xf32>
    %convert_element_type3A_165 = arith.extui %eq3A_164 : vector<1x128x64xi1> to vector<1x128x64xi32>
    %convert_element_type3A_166 = arith.sitofp %convert_element_type3A_165 : vector<1x128x64xi32> to vector<1x128x64xf32>
    %broadcast_in_dim3A_167 = vector.shape_cast %squeeze3A : vector<64xf32> to vector<1x1x64xf32>
    %mul3A_168 = vector.broadcast %broadcast_in_dim3A_167 : vector<1x1x64xf32> to vector<1x128x64xf32>
    %mul3A_169 = arith.mulf %convert_element_type3A_166, %mul3A_168 : vector<1x128x64xf32>
    %reduce_sum3A_170 = arith.constant dense<0.000000e+00> : vector<1x128xf32>
    %reduce_sum3A_171 = vector.multi_reduction <add>, %mul3A_169, %reduce_sum3A_170 [2] : vector<1x128x64xf32> to vector<1x128xf32>
    %sub3A_172 = arith.subf %add3A_132, %floor3A : vector<64xf32>
    %broadcast_in_dim3A_173 = vector.shape_cast %sub3A_172 : vector<64xf32> to vector<1x1x64xf32>
    %mul3A_174 = vector.broadcast %broadcast_in_dim3A_173 : vector<1x1x64xf32> to vector<1x128x64xf32>
    %mul3A_175 = arith.mulf %convert_element_type3A_166, %mul3A_174 : vector<1x128x64xf32>
    %reduce_sum3A_176 = arith.constant dense<0.000000e+00> : vector<1x128xf32>
    %reduce_sum3A_177 = vector.multi_reduction <add>, %mul3A_175, %reduce_sum3A_176 [2] : vector<1x128x64xf32> to vector<1x128xf32>
    %sub3A_178 = arith.subf %convert_element_type3A_136, %reduce_sum3A_177 : vector<1x128xf32>
    %mul3A_179 = arith.constant 6.400000e+01 : f32
    %mul3A_180 = vector.broadcast %mul3A_179 : f32 to vector<1x128xf32>
    %mul3A_181 = arith.mulf %sub3A_178, %mul3A_180 : vector<1x128xf32>
    %sub3A_182 = arith.subf %reduce_sum3A_171, %mul3A_181 : vector<1x128xf32>
    %jit3A_183 = arith.constant 0.000000e+00 : f32
    %jit3A_184 = arith.constant 6.400000e+01 : f32
    %max3A_185 = vector.broadcast %jit3A_183 : f32 to vector<1x128xf32>
    %max3A_186 = arith.maximumf %max3A_185, %sub3A_182 : vector<1x128xf32>
    %min3A = vector.broadcast %jit3A_184 : f32 to vector<1x128xf32>
    %min3A_187 = arith.minimumf %min3A, %max3A_186 : vector<1x128xf32>
    %jit3A_188 = arith.constant 0.000000e+00 : f32
    %broadcast_in_dim3A_189 = vector.broadcast %jit3A_188 : f32 to vector<1x128xf32>
    %select_n3A_190 = arith.select %lt3A_157, %min3A_187, %broadcast_in_dim3A_189 : vector<1x128xi1>, vector<1x128xf32>
    %convert_element_type3A_191 = arith.fptosi %select_n3A_159 : vector<1x128xf32> to vector<1x128xi32>
    %swap3A_192 = arith.constant 0 : index
    %swap3A_193 = arith.constant 0 : index
    %swap3A_194 = vector.load %arg4[%swap3A_192, %swap3A_193] : memref<1x128xi32, #tpu.memory_space<vmem>>, vector<1x128xi32>
    tpu.vector_store %arg4[%swap3A_192, %swap3A_193], %convert_element_type3A_191 {strides = array<i32>} : memref<1x128xi32, #tpu.memory_space<vmem>>, vector<1x128xi32>,
    %convert_element_type3A_195 = arith.fptosi %select_n3A_190 : vector<1x128xf32> to vector<1x128xi32>
    %swap3A_196 = arith.constant 0 : index
    %swap3A_197 = arith.constant 0 : index
    %swap3A_198 = vector.load %arg5[%swap3A_196, %swap3A_197] : memref<1x128xi32, #tpu.memory_space<vmem>>, vector<1x128xi32>
    tpu.vector_store %arg5[%swap3A_196, %swap3A_197], %convert_element_type3A_195 {strides = array<i32>} : memref<1x128xi32, #tpu.memory_space<vmem>>, vector<1x128xi32>,
    return
  }
}

module attributes {stable_mosaic.version = 14 : i64} {
  func.func @_ffn_body(%arg0: i32, %arg1: memref<127xi32, #tpu.memory_space<smem>>, %arg2: memref<127xi32, #tpu.memory_space<smem>>, %arg3: memref<64x1024xf32, #tpu.memory_space<vmem>>, %arg4: memref<1x1024x1024xf32, #tpu.memory_space<vmem>>, %arg5: memref<1x1024x1024xf32, #tpu.memory_space<vmem>>, %arg6: memref<1x1024x1024xf32, #tpu.memory_space<vmem>>, %arg7: memref<64x1024xf32, #tpu.memory_space<vmem>>) attributes {dimension_semantics = [#tpu.dimension_semantics<arbitrary>], iteration_bounds = array<i64: 127>, scalar_prefetch = 2 : i64, scratch_operands = 0 : i64, tpu.core_type = #tpu.core_type<tc>, window_params = [{transform_indices = @transform_0, window_bounds = array<i64: 64, 1024>}, {transform_indices = @transform_1, window_bounds = array<i64: 1, 1024, 1024>}, {transform_indices = @transform_2, window_bounds = array<i64: 1, 1024, 1024>}, {transform_indices = @transform_3, window_bounds = array<i64: 1, 1024, 1024>}, {transform_indices = @transform_4, window_bounds = array<i64: 64, 1024>}]} {
    %get3A = arith.index_cast %arg0 : i32 to index
    %get3A_0 = memref.load %arg2[%get3A] : memref<127xi32, #tpu.memory_space<smem>>
    %gt3A = arith.constant 0 : i32
    %gt3A_1 = arith.cmpi sgt, %get3A_0, %gt3A : i32
    %convert_element_type3A = arith.extui %gt3A_1 : i1 to i32
    %cond3A = arith.constant 0 : i32
    %cond3A_2 = arith.cmpi ne, %convert_element_type3A, %cond3A : i32
    scf.if %cond3A_2 {
      %get3A_3 = arith.constant 0 : index
      %get3A_4 = arith.constant 0 : index
      %get3A_5 = vector.load %arg3[%get3A_3, %get3A_4] : memref<64x1024xf32, #tpu.memory_space<vmem>>, vector<64x1024xf32>
      %get3A_6 = arith.constant 0 : index
      %get3A_7 = arith.constant 0 : index
      %get3A_8 = arith.constant 0 : index
      %get3A_9 = vector.load %arg4[%get3A_6, %get3A_7, %get3A_8] : memref<1x1024x1024xf32, #tpu.memory_space<vmem>>, vector<1x1024x1024xf32>
      %get3A_10 = vector.shape_cast %get3A_9 : vector<1x1024x1024xf32> to vector<1024x1024xf32>
      %dot_general3A = arith.constant dense<0.000000e+00> : vector<64x1024xf32>
      %dot_general3A_11 = tpu.matmul %get3A_5, %get3A_10, %dot_general3A {dimension_numbers = #tpu.dot_dimension_numbers<[1], [0], [0], [1], [0, 0, 1, 1], [], []>, transpose_lhs_hint = false} : vector<64x1024xf32>, vector<1024x1024xf32>, vector<64x1024xf32> -> vector<64x1024xf32>
      %integer_pow3A = arith.mulf %dot_general3A_11, %dot_general3A_11 : vector<64x1024xf32>
      %integer_pow3A_12 = arith.mulf %dot_general3A_11, %integer_pow3A : vector<64x1024xf32>
      %mul3A = arith.constant 4.471500e-02 : f32
      %mul3A_13 = vector.broadcast %mul3A : f32 to vector<64x1024xf32>
      %mul3A_14 = arith.mulf %mul3A_13, %integer_pow3A_12 : vector<64x1024xf32>
      %add3A = arith.addf %dot_general3A_11, %mul3A_14 : vector<64x1024xf32>
      %mul3A_15 = arith.constant 0.797884583 : f32
      %mul3A_16 = vector.broadcast %mul3A_15 : f32 to vector<64x1024xf32>
      %mul3A_17 = arith.mulf %mul3A_16, %add3A : vector<64x1024xf32>
      %tanh3A = math.tanh %mul3A_17 : vector<64x1024xf32>
      %add3A_18 = arith.constant 1.000000e+00 : f32
      %add3A_19 = vector.broadcast %add3A_18 : f32 to vector<64x1024xf32>
      %add3A_20 = arith.addf %add3A_19, %tanh3A : vector<64x1024xf32>
      %mul3A_21 = arith.constant 5.000000e-01 : f32
      %mul3A_22 = vector.broadcast %mul3A_21 : f32 to vector<64x1024xf32>
      %mul3A_23 = arith.mulf %mul3A_22, %add3A_20 : vector<64x1024xf32>
      %mul3A_24 = arith.mulf %dot_general3A_11, %mul3A_23 : vector<64x1024xf32>
      %get3A_25 = arith.constant 0 : index
      %get3A_26 = arith.constant 0 : index
      %get3A_27 = arith.constant 0 : index
      %get3A_28 = vector.load %arg5[%get3A_25, %get3A_26, %get3A_27] : memref<1x1024x1024xf32, #tpu.memory_space<vmem>>, vector<1x1024x1024xf32>
      %get3A_29 = vector.shape_cast %get3A_28 : vector<1x1024x1024xf32> to vector<1024x1024xf32>
      %dot_general3A_30 = arith.constant dense<0.000000e+00> : vector<64x1024xf32>
      %dot_general3A_31 = tpu.matmul %get3A_5, %get3A_29, %dot_general3A_30 {dimension_numbers = #tpu.dot_dimension_numbers<[1], [0], [0], [1], [0, 0, 1, 1], [], []>, transpose_lhs_hint = false} : vector<64x1024xf32>, vector<1024x1024xf32>, vector<64x1024xf32> -> vector<64x1024xf32>
      %mul3A_32 = arith.mulf %mul3A_24, %dot_general3A_31 : vector<64x1024xf32>
      %get3A_33 = arith.constant 0 : index
      %get3A_34 = arith.constant 0 : index
      %get3A_35 = arith.constant 0 : index
      %get3A_36 = vector.load %arg6[%get3A_33, %get3A_34, %get3A_35] : memref<1x1024x1024xf32, #tpu.memory_space<vmem>>, vector<1x1024x1024xf32>
      %get3A_37 = vector.shape_cast %get3A_36 : vector<1x1024x1024xf32> to vector<1024x1024xf32>
      %dot_general3A_38 = arith.constant dense<0.000000e+00> : vector<64x1024xf32>
      %dot_general3A_39 = tpu.matmul %mul3A_32, %get3A_37, %dot_general3A_38 {dimension_numbers = #tpu.dot_dimension_numbers<[1], [0], [0], [1], [0, 0, 1, 1], [], []>, transpose_lhs_hint = false} : vector<64x1024xf32>, vector<1024x1024xf32>, vector<64x1024xf32> -> vector<64x1024xf32>
      %swap3A = arith.constant 0 : index
      %swap3A_40 = arith.constant 0 : index
      %swap3A_41 = vector.load %arg7[%swap3A, %swap3A_40] : memref<64x1024xf32, #tpu.memory_space<vmem>>, vector<64x1024xf32>
      tpu.vector_store %arg7[%swap3A, %swap3A_40], %dot_general3A_39 {strides = array<i32>} : memref<64x1024xf32, #tpu.memory_space<vmem>>, vector<64x1024xf32>,
    } else {
    }
    return
  }
  func.func @transform_0(%arg0: i32, %arg1: memref<127xi32, #tpu.memory_space<smem>>, %arg2: memref<127xi32, #tpu.memory_space<smem>>) -> (i32, i32) {
    %c0_i32 = arith.constant 0 : i32
    %c0_i32_0 = arith.constant 0 : i32
    return %arg0, %c0_i32 : i32, i32
  }
  func.func @transform_1(%arg0: i32, %arg1: memref<127xi32, #tpu.memory_space<smem>>, %arg2: memref<127xi32, #tpu.memory_space<smem>>) -> (i32, i32, i32) {
    %get3A = arith.index_cast %arg0 : i32 to index
    %get3A_0 = memref.load %arg1[%get3A] : memref<127xi32, #tpu.memory_space<smem>>
    %c0_i32 = arith.constant 0 : i32
    %c0_i32_1 = arith.constant 0 : i32
    %c0_i32_2 = arith.constant 0 : i32
    return %get3A_0, %c0_i32, %c0_i32_1 : i32, i32, i32
  }
  func.func @transform_2(%arg0: i32, %arg1: memref<127xi32, #tpu.memory_space<smem>>, %arg2: memref<127xi32, #tpu.memory_space<smem>>) -> (i32, i32, i32) {
    %get3A = arith.index_cast %arg0 : i32 to index
    %get3A_0 = memref.load %arg1[%get3A] : memref<127xi32, #tpu.memory_space<smem>>
    %c0_i32 = arith.constant 0 : i32
    %c0_i32_1 = arith.constant 0 : i32
    %c0_i32_2 = arith.constant 0 : i32
    return %get3A_0, %c0_i32, %c0_i32_1 : i32, i32, i32
  }
  func.func @transform_3(%arg0: i32, %arg1: memref<127xi32, #tpu.memory_space<smem>>, %arg2: memref<127xi32, #tpu.memory_space<smem>>) -> (i32, i32, i32) {
    %get3A = arith.index_cast %arg0 : i32 to index
    %get3A_0 = memref.load %arg1[%get3A] : memref<127xi32, #tpu.memory_space<smem>>
    %c0_i32 = arith.constant 0 : i32
    %c0_i32_1 = arith.constant 0 : i32
    %c0_i32_2 = arith.constant 0 : i32
    return %get3A_0, %c0_i32, %c0_i32_1 : i32, i32, i32
  }
  func.func @transform_4(%arg0: i32, %arg1: memref<127xi32, #tpu.memory_space<smem>>, %arg2: memref<127xi32, #tpu.memory_space<smem>>) -> (i32, i32) {
    %c0_i32 = arith.constant 0 : i32
    %c0_i32_0 = arith.constant 0 : i32
    return %arg0, %c0_i32 : i32, i32
  }
}

</mosaic_0001>

<sc_bundles>
// kernel: gather_offload_async_start.1
scs
__scs_entry_jumppad:
0x0: {  	(pc) =	sbr.rel $0x88, $3  }
0x1: {  	(tag) =	ssettag $0x0;
	lr =	simm.s32 $0x1  }
0x2: {  	[smem:$0x3F9C] =	sst lr;
	_ =	strace $0xD0000000  }
0x3: {  	_ = 	snop  }
0x4: {  	_ = 	snop  }
0x5: {  	_ = 	snop  }
0x6: {  	_ = 	snop  }
0x7: {  	_ = 	snop  }
__scs_overlays_trampoline_lowered:
0x8: {  	[smem:$0x3FAB] =	sst s0  }
0x9: {  	[smem:$0x3FAC] =	sst s1  }
0xa: {  	[smem:$0x3FAD] =	sst s2  }
0xb: {  	[smem:$0x3FAE] =	sst s3  }
0xc: {  	[smem:$0x3FAF] =	sst s4  }
0xd: {  	[smem:$0x3FB0] =	sst s5  }
0xe: {  	[smem:$0x3FB1] =	sst s6  }
0xf: {  	[smem:$0x3FB2] =	sst s7  }
0x10: {  	[smem:$0x3FB3] =	sst s8  }
0x11: {  	[smem:$0x3FB4] =	sst s9;
	s0 =	simm.s32 @!p0 $0x0  }
0x12: {  	s1 =	sld [smem:$0x3F9A];
	s0 =	simm.s32 @p0 $0x1  }
0x13: {  	[smem:$0x3FB5] =	sst s0;
	s0 =	simm.s32 @!p1 $0x0  }
0x14: {  	s2 =	sld [smem:$0x3F99];
	s0 =	simm.s32 @p1 $0x1  }
0x15: {  	[smem:$0x3FB6] =	sst s0;
	s0 =	simm.s32 @!p2 $0x0  }
0x16: {  	s3 =	sld [smem:$0x3FDB];
	s0 =	simm.s32 @p2 $0x1  }
0x17: {  	s4 =	simm.s32 $0x1BF5;
	[smem:$0x3FB8] =	sst s0  }
0x18: {  	s0 =	sld [smem:$0x3F9B];
	_ =	swait.ge [sflag:s4], $0x0  }
0x19: {  	s7 =	sld [smem:$0x3F9C]  }
0x1a: {  	s8 =	sadd.s32 $0xFFFFE003, lr  }
0x1b: {  	s9 =	sadd.s32 $0xFFFFFEF7, lr;
	s5 =	simm.s32 $0xFFFFFFFF;
	p2 =	slt.u32 s8, $0xFFFFF086  }
0x1c: {  	p1 =	slt.u32 s9, $0xF7A;
	s5 =	simm.s32 @!p2 $0x0  }
0x1d: {  	s5 =	simm.s32 @p1 $0x1;
	p0 =	seq.s32 s7, s2  }
0x1e: {  	s7 =	smul.u32 @!p0 $0xF7A, s2;
	p2 =	seq.s32 @!p0 s5, $0x0  }
0x1f: {  	s9 =	smul.u32 $0xF7A, s1;
	s8 =	simm.s32 @!p0 $0x1BF5;
	p2 =	por !p2, p0  }
0x20: {  	[sflag:s8] =	ssyncset.s32 @!p0 $0xFFFFF086;
	s6 =	sadd.s32 @!p0 s3, s7;
	s7 =	simm.s32 @!p0 $0x108  }
0x21: {  	s3 =	sadd.s32 s3, s9;
	s6 =	sadd.s32 @!p0 $0x88, s6;
	s7 =	simm.s32 @p2 $0x1082  }
0x22: {  	[simem:s7], [sflag:s8] =	dma.local @!p0 [hbm:s6], $0xF7A  }
0x23: {  	s9 =	sor.u32 $0xD0000000, s2;
	s6 =	simm.s32 $0x108;
	_ =	swait.ge @!p0 [sflag:s8], $0x0  }
0x24: {  	s3 =	sadd.s32 $0x88, s3;
	s6 =	simm.s32 @!p1 $0x1082;
	[sflag:s4] =	ssyncset.s32 $0xFFFFF086  }
0x25: {  	[simem:s6], [sflag:s4] =	dma.local [hbm:s3], $0xF7A  }
0x26: {  	[smem:$0x3F9C] =	sst s1;
	(tag) =	ssettag s2;
	_ =	strace s9  }
0x27: {  	s1 =	sld [smem:$0x3FAC]  }
0x28: {  	s2 =	sld [smem:$0x3FAD]  }
0x29: {  	s4 =	sld [smem:$0x3FAF]  }
0x2a: {  	p0 =	seq.s32 s5, $0x0;
	s5 =	sld [smem:$0x3FB0]  }
0x2b: {  	s6 =	sld [smem:$0x3FB1]  }
0x2c: {  	s7 =	sld [smem:$0x3FB2]  }
0x2d: {  	s3 =	simm.s32 $0x108;
	s8 =	sld [smem:$0x3FB3]  }
0x2e: {  	s3 =	simm.s32 @!p0 $0x1082;
	s9 =	sld [smem:$0x3FB4]  }
0x2f: {  	lr =	sadd.s32 s0, s3;
	s0 =	sld [smem:$0x3FAB]  }
0x30: {  	s3 =	sld [smem:$0x3FAE]  }
0x31: {  	[smem:$0x3FB7] =	sst s10  }
0x32: {  	s10 =	sld [smem:$0x3FB5];
	_ =	sdelay $0x3  }
0x33: {  	p0 =	seq.s32 s10, $0x1;
	s10 =	sld [smem:$0x3FB7];
	_ =	sdelay $0x3  }
0x34: {  	[smem:$0x3FB7] =	sst s10  }
0x35: {  	s10 =	sld [smem:$0x3FB6];
	_ =	sdelay $0x3  }
0x36: {  	p1 =	seq.s32 s10, $0x1;
	s10 =	sld [smem:$0x3FB7];
	_ =	sdelay $0x3  }
0x37: {  	[smem:$0x3FB7] =	sst s10  }
0x38: {  	s10 =	sld [smem:$0x3FB8]  }
0x39: {  	_ = 	snop;
	(pc) =	sbr.ind lr, $3  }
0x3a: {  	_ = 	snop  }
0x3b: {  	_ = 	snop  }
0x3c: {  	p2 =	seq.s32 s10, $0x1;
	s10 =	sld [smem:$0x3FB7]  }
0x3d: {  	_ =	shalt  }
0x3e: {  	_ =	shalt  }
0x3f: {  	_ =	shalt  }
0x40: {  	_ =	shalt  }
0x41: {  	_ =	shalt  }
0x42: {  	_ =	shalt  }
0x43: {  	_ =	shalt  }
0x44: {  	_ =	shalt  }
0x45: {  	_ =	shalt  }
0x46: {  	_ =	shalt  }
0x47: {  	_ =	shalt  }
0x48: {  	_ =	shalt  }
0x49: {  	_ =	shalt  }
0x4a: {  	_ =	shalt  }
0x4b: {  	_ =	shalt  }
0x4c: {  	_ =	shalt  }
0x4d: {  	_ =	shalt  }
0x4e: {  	_ =	shalt  }
0x4f: {  	_ =	shalt  }
0x50: {  	_ =	shalt  }
0x51: {  	_ =	shalt  }
0x52: {  	_ =	shalt  }
0x53: {  	_ =	shalt  }
0x54: {  	_ =	shalt  }
0x55: {  	_ =	shalt  }
0x56: {  	_ =	shalt  }
0x57: {  	_ =	shalt  }
0x58: {  	_ =	shalt  }
0x59: {  	_ =	shalt  }
0x5a: {  	_ =	shalt  }
0x5b: {  	_ =	shalt  }
0x5c: {  	_ =	shalt  }
0x5d: {  	_ =	shalt  }
0x5e: {  	_ =	shalt  }
0x5f: {  	_ =	shalt  }
0x60: {  	_ =	shalt  }
0x61: {  	_ =	shalt  }
0x62: {  	_ =	shalt  }
0x63: {  	_ =	shalt  }
0x64: {  	_ =	shalt  }
0x65: {  	_ =	shalt  }
0x66: {  	_ =	shalt  }
0x67: {  	_ =	shalt  }
0x68: {  	_ =	shalt  }
0x69: {  	_ =	shalt  }
0x6a: {  	_ =	shalt  }
0x6b: {  	_ =	shalt  }
0x6c: {  	_ =	shalt  }
0x6d: {  	_ =	shalt  }
0x6e: {  	_ =	shalt  }
0x6f: {  	_ =	shalt  }
0x70: {  	_ =	shalt  }
0x71: {  	_ =	shalt  }
0x72: {  	_ =	shalt  }
0x73: {  	_ =	shalt  }
0x74: {  	_ =	shalt  }
0x75: {  	_ =	shalt  }
0x76: {  	_ =	shalt  }
0x77: {  	_ =	shalt  }
0x78: {  	_ =	shalt  }
0x79: {  	_ =	shalt  }
0x7a: {  	_ =	shalt  }
0x7b: {  	_ =	shalt  }
0x7c: {  	_ =	shalt  }
0x7d: {  	_ =	shalt  }
0x7e: {  	_ =	shalt  }
0x7f: {  	_ =	shalt  }
0x80: {  	_ =	shalt  }
0x81: {  	_ =	shalt  }
0x82: {  	_ =	shalt  }
0x83: {  	_ =	shalt  }
0x84: {  	_ =	shalt  }
0x85: {  	_ =	shalt  }
0x86: {  	_ =	shalt  }
0x87: {  	_ =	shalt  }
.Lfunc_end0:
.L_simem_size_0:
called_computation.1_lowered:
.L_overlay_start_0:
0x88: {  	s2 =	sld [smem:$0x3FD9]  }
0x89: {  	s3 =	sld [smem:$0x3FFE];
	_ =	sdelay $0x1  }
0x8a: {  	s1 =	srdreg.scid  }
0x8b: {  	s0 =	sand.u32 $0x1, s1  }
0x8c: {  	s16 =	sshll.u32 s0, $0xA;
	s2 =	sadd.s32 s3, s2  }
0x8d: {  	s2 =	sadd.s32 s2, s16  }
0x8e: {  	[smem:$0x3FC3] =	sst s2  }
0x8f: {  	_ = 	snop  }
0x90: {  	(tm) =	ssettm $0x1  }
0x91: {  	s17 =	sld [smem:$0x3FFB];
	_ =	sdelay $0x3  }
0x92: {  	_ =	strace s17  }
0x93: {  	s2 =	sld [smem:$0x3FFC];
	_ =	sdelay $0x3  }
0x94: {  	_ =	strace s2  }
0x95: {  	s2 =	sld [smem:$0x3FFD];
	_ =	sdelay $0x3  }
0x96: {  	_ =	strace s2  }
0x97: {  	_ =	strace $0x8FFFFFFF  }
0x98: {  	s18 =	sld [smem:$0x3FDB];
	_ =	sdelay $0x1  }
0x99: {  	s19 =	simm.s32 $_scs_section_size  }
0x9a: {  	s4 =	simm.s32 $_size__tile_overlayer_lowered;
	s5 =	simm.s32 $_tile_overlayer_lowered  }
0x9b: {  	s22 =	simm.s32 $0x1BFF;
	s21 =	sshll.u32 s5, $0x1;
	s2 =	sadd.s32 s19, s18  }
0x9c: {  	s6 =	simm.s32 $0x0;
	s20 =	sshll.u32 s4, $0x1;
	s4 =	sadd.s32 s21, s2  }
0x9d: {  	[timem:s6], [sflag:s22] =	dma.local [hbm:s4], s20  }
0x9e: {  	_ =	swait.ge [sflag:s22], s20  }
0x9f: {  	s3 =	ssub.s32 $0x0, s20;
	[sflag:s22] =	ssyncset.done $0x0  }
0xa0: {  	[sflag:s22] =	ssyncadd.s32 s3;
	_ =	sdelay $0x1  }
0xa1: {  	s23 =	simm.s32 $0x1B8B  }
0xa2: {  	_ =	swait.ge [sflag:s23], $0x1  }
0xa3: {  	[sflag:s23] =	ssyncset.done $0x0  }
0xa4: {  	s25 =	simm.s32 $0x1B8E;
	s24 =	sld [smem:$0x3FFE];
	[sflag:s23] =	ssyncadd.s32 $0xFFFFFFFF  }
0xa5: {  	s26 =	simm.s32 $execute0_lowered;
	[smem:$0x3FD2] =	sst s25  }
0xa6: {  	s4 =	sshll.u32 s26, $0x1;
	_ =	strace $0x80000046;
	[dreg:$0x1] =	wrdreg $0xFFFFFFFF  }
0xa7: {  	s28 =	simm.s32 $_size_execute0_lowered;
	s2 =	sadd.s32 s2, s4;
	[dreg:$0x0] =	wrdreg $0x0  }
0xa8: {  	s4 =	sshll.u32 s28, $0x1;
	[dreg:$0x2] =	wrdreg s2  }
0xa9: {  	[dreg:$0x3] =	wrdreg s4  }
0xaa: {  	[dreg:$0x4] =	wrdreg $0xC0  }
0xab: {  	_ =	task [dreg:s6], $0x5FFFF  }
0xac: {  	[dreg:$0x1] =	wrdreg $0xFFFFFFFF  }
0xad: {  	[dreg:$0x0] =	wrdreg $0x60  }
0xae: {  	[dreg:$0x2] =	wrdreg s24  }
0xaf: {  	[dreg:$0x3] =	wrdreg $0xA  }
0xb0: {  	_ =	task.clear_ibuf [dreg:s6], $0x4FFFF;
	_ =	strace $0x90000046  }
0xb1: {  	s29 =	simm.s32 $0xA;
	_ =	strace $0x80000048  }
0xb2: {  	_ =	swait.ge [sflag:s29], $0x1  }
0xb3: {  	[sflag:s29] =	ssyncadd.s32 $0xFFFFFFFF  }
0xb4: {  	_ =	strace $0x90000048  }
0xb5: {  	_ =	sfence  }
0xb6: {  	s30 =	sld [smem:$0x0];
	_ =	sdelay $0x2  }
0xb7: {  	s31 =	sshll.u32 s1, $0xD;
	s1 =	sshrl.u32 s1, $0x2  }
0xb8: {  	s3 =	sand.u32 $0x4000, s31;
	s1 =	sadd.s32 s1, s30  }
0xb9: {  	s0 =	sor.u32 s3, s0;
	s1 =	sshll.u32 s1, $0x11  }
0xba: {  	s0 =	sor.u32 s1, s0  }
0xbb: {  	s0 =	sadd.s32 $0x8F2B, s0  }
0xbc: {  	[sflag:s0] =	ssyncadd.remote.s32 $0x1  }
0xbd: {  	_ =	sfence.sel $0xFFFF  }
0xbe: {  	[dreg:$0x0] =	wrdreg $0xFFFFFFFF;
	(pc) =	sbr.abs _section_cstart, $3  }
0xbf: {  	[dreg:$0x1] =	wrdreg $0xFFFFFFFF  }
0xc0: {  	_ =	task.clear_ibuf [dreg:s6], $0x2FFFF;
	_ =	strace $0x9FFFFFFF  }
0xc1: {  	(tm) =	ssettm $0x7FFFFFFF  }
tec
execute0_lowered:
.L_overlay_start_1:
0x0: {  	(tag) =	ssettag $0x1  }
0x1: {  	s7 =	rddreg [dreg:$0x0]  }
0x2: {  	s0 =	rddreg [dreg:$0x1];
	_ =	strace $0x80000047  }
0x3: {  	s1 =	srdreg.scid;
	s4 =	simm.s32 $0x1;
	s9 =	simm.s32 $0x3  }
0x4: {  	s11 =	simm.s32 $0x0;
	p0 =	por $0x0, $0x0;
	s5 =	sshll.u32 s1, $0x4  }
.Ltmp0:
0x5: {  	s1 =	stileid.u32;
	s5 =	sand.u32 $0x10, s5;
	(pc) =	sbr.rel .LBB2_1-.Ltmp0, $4  }
0x6: {  	s2 =	sadd.s32 $0x106400, s7;
	s3 =	sadd.s32 $0x8200, s7;
	s6 =	sor.u32 s1, s5  }
0x7: {  	[sflag:s4] =	ssyncpa.u1 $0x0;
	s5 =	simm.s32 $0x2;
	s6 =	sshll.u32 s6, $0x6  }
0x8: {  	s7 =	sadd.s32 $0x8400, s7;
	[sflag:s5] =	ssyncpa.u1 $0x0;
	s8 =	sadd.s32 $0x40, s6  }
0x9: {  	vm0 =	vmmov $0xff;
	vm1 =	vcmask $0x3F20;
	[sflag:s9] =	ssyncpa.u1 $0x0;
	s10 =	smov.u32 s6;
	s9 =	simm.s32 $0x0  }
.LBB2_9:
0xa: {  	p1 =	slt.u32 s9, $0x2;
	s11 =	sadd.s32 $0x20, s10  }
0xb: {  	s13 =	smov.u32 s6;
	s9 =	sadd.s32 $0x1, s9;
	p2 =	slt.s32 s11, s8  }
0xc: {  	s13 =	smov.u32 @p2 s11;
	p2 =	sne.s32 s9, $0x4  }
.Ltmp1:
0xd: {  	_ = 	snop;
	(pc) =	sbr.rel @!p2 .LBB2_10-.Ltmp1, $4  }
0xe: {  	s12 =	simm.s32 @!p1 $0x3  }
0xf: {  	_ =	swait.ge @!p1 [sflag:s12], $0x8000  }
0x10: {  	p0 =	por !p0, !p0;
	[sflag:s12] =	ssyncset.done @!p1 $0x0  }
0x11: {  	s11 =	smov.u32 s10;
	s10 =	smov.u32 s13;
	[sflag:s12] =	ssyncadd.s32 @!p1 $0xFFFF8000  }
.LBB2_1:
0x12: {  	p1 =	sgt.u32 s9, $0x1  }
0x13: {  	s12 =	sshll.u32 @!p1 s9, $0x5;
	s13 =	sshrl.u32 @!p1 s10, $0x3  }
0x14: {  	s14 =	sand.u32 @!p1 $0x7, s10;
	s12 =	sxor.u32 @!p1 $0x20, s12;
	s13 =	sadd.s32 @!p1 s3, s13  }
0x15: {  	[tilespmem:s12], [sflag:$0x2] =	stream.linear.gather @!p1 [hbm4b:s13+s14], $0x20, $0x38;
	[tilespmem:$0x10040] =	vst v63  }
0x16: {  	p1 =	seq.s32 s9, $0x0  }
0x17: {  	p2 =	seq.s32 @!p1 s9, $0x3  }
0x18: {  	p1 =	por p1, p2  }
.Ltmp2:
0x19: {  	_ = 	snop;
	(pc) =	sbr.rel @p1 .LBB2_9-.Ltmp2, $1  }
0x1a: {  	_ =	sdelay $0x3  }
0x1b: {  	s12 =	simm.s32 $0x1  }
0x1c: {  	_ =	swait.ge [sflag:s5], $0x20;
	s13 =	sand.u32 $0x1, s9;
	s12 =	simm.s32 @!p0 $0x0  }
0x1d: {  	s15 =	simm.s32 $0x0;
	p2 =	por $0x1, $0x1;
	s12 =	sshll.u32 s12, $0x11  }
0x1e: {  	[sflag:s5] =	ssyncset.done $0x0;
	s13 =	sshll.u32 s13, $0x5;
	s14 =	sshrl.u32 s12, $0x2  }
0x1f: {  	[sflag:s5] =	ssyncadd.s32 $0xFFFFFFE0;
	s12 =	sor.u32 $0x40, s14;
	s14 =	sadd.s32 $0x40, s14  }
.LBB2_3:
0x20: {  	s16 =	sshll.u32 s15, $0x4  }
0x21: {  	s16 =	sand.u32 $0x3FFFFFF0, s16  }
0x22: {  	s16 =	sadd.s32 s16, s13  }
0x23: {  	v0 =	vld.msk [tilespmem:s16+$0x0 ss:$0x1], $0xffff;
	_ =	sdelay $0x4  }
0x24: {  	vm2 =	vgt.s32 v0, $0x0  }
0x25: {  	v0 =	vnsel vm2, $0x0, v0  }
0x26: {  	v0 =	vmin.u32 v0, $0x1FBF  }
0x27: {  	v1 =	vshll.u32 v0, $0x7;
	v0 =	vshll.u32 v0, $0x4  }
0x28: {  	v1 =	vand.u32 $0xFFC00, v1;
	v0 =	vand.u32 $0x70, v0  }
0x29: {  	v0 =	vor.u32 v0, v1  }
0x2a: {  	s31 =	sshll.u32 s15, $0x10  }
0x2b: {  	s15 =	sshra.s32 s31, $0x2  }
0x2c: {  	s15 =	sadd.s32 s15, s14  }
0x2d: {  	s17 =	sadd.s32 $0x0, s15  }
0x2e: {  	[tilespmem:s17], [sflag:$0x1] =	stream.indirect_vreg.gather [hbm:s2], $0x80, v0, vm0, $0x38;
	[tilespmem:$0x10040] =	vst v63  }
0x2f: {  	p1 =	por p2, p2;
	s16 =	simm.s32 $0x1000;
	v1 =	vadd.s32 $0x80, v0;
	s17 =	sadd.s32 $0x2000, s17  }
.LBB2_4:
0x30: {  	[tilespmem:s17], [sflag:$0x1] =	stream.indirect_vreg.gather [hbm:s2], $0x80, v0, vm1, $0x38;
	[tilespmem:$0x10040] =	vst v63  }
0x31: {  	v0 =	vmov v1;
	s17 =	smov.u32 s16;
	p2 =	sne.s32 s16, $0x7000  }
.Ltmp3:
0x32: {  	s16 =	sadd.s32 $0x1000, s16;
	(pc) =	sbr.rel @p2 .LBB2_4-.Ltmp3, $4  }
0x33: {  	s17 =	sshra.s32 s17, $0x2  }
0x34: {  	s17 =	sadd.s32 s17, s15  }
0x35: {  	[tilespmem:s17], [sflag:$0x1] =	stream.indirect_vreg.gather [hbm:s2], $0x80, v1, vm0, $0x38;
	[tilespmem:$0x10040] =	vst v63  }
0x36: {  	s17 =	sadd.s32 $0x2000, s17;
	v1 =	vadd.s32 $0x80, v1  }
0x37: {  	_ = 	snop  }
.Ltmp4:
0x38: {  	_ = 	snop;
	(pc) =	sbr.rel @p1 .LBB2_3-.Ltmp4, $3  }
0x39: {  	_ =	sdelay $0x1  }
0x3a: {  	[tilespmem:s17], [sflag:$0x1] =	stream.indirect_vreg.gather [hbm:s2], $0x80, v0, vm1, $0x38;
	[tilespmem:$0x10040] =	vst v63  }
0x3b: {  	s15 =	simm.s32 $0x1;
	p2 =	por $0x0, $0x0  }
0x3c: {  	s13 =	sshll.u32 s11, $0x7  }
0x3d: {  	s31 =	sshll.u32 s11, $0x4;
	s13 =	sand.u32 $0xFFFFFC00, s13  }
0x3e: {  	_ =	swait.ge [sflag:s4], $0x8000;
	s11 =	sand.u32 $0x70, s31;
	s13 =	sadd.s32 s13, s7  }
0x3f: {  	s14 =	sadd.s32 $0x2000, s12;
	[sflag:s4] =	ssyncset.done $0x0;
	s11 =	sadd.s32 s11, s13  }
0x40: {  	[sflag:s4] =	ssyncadd.s32 $0xFFFF8000;
	s13 =	simm.s32 $0x400;
	s15 =	sadd.s32 $0x0, s11  }
.LBB2_7:
0x41: {  	[hbm:s15] =	stream.linear.scatter [tilespmem:s12], [sflag:$0x3], $0x2000, $0x38;
	[tilespmem:$0x10040] =	vst v63  }
0x42: {  	s15 =	smov.u32 s13;
	s12 =	smov.u32 s14;
	p1 =	sne.s32 s13, $0xC00  }
.Ltmp5:
0x43: {  	s13 =	sadd.s32 $0x400, s13;
	(pc) =	sbr.rel @p1 .LBB2_7-.Ltmp5, $2  }
0x44: {  	_ =	sdelay $0x2  }
0x45: {  	s14 =	sadd.s32 $0x2000, s14;
	s15 =	sadd.s32 s15, s11  }
.Ltmp6:
0x46: {  	(pc) =	sbr.rel .LBB2_9-.Ltmp6, $2  }
0x47: {  	_ =	sdelay $0x2  }
0x48: {  	[hbm:s15] =	stream.linear.scatter [tilespmem:s12], [sflag:$0x3], $0x2000, $0x38;
	[tilespmem:$0x10040] =	vst v63  }
.LBB2_10:
0x49: {  	_ =	sfence.sel $0x180000  }
0x4a: {  	s2 =	simm.s32 $0x2;
	[bflag:$0x0] =	sbarrier.arrive $0xFFFF  }
0x4b: {  	s30 =	simm.s32 $0x3;
	[sflag:s2] =	ssyncpa.u1 $0x1  }
0x4c: {  	s31 =	simm.s32 $0x1;
	[sflag:s30] =	ssyncpa.u1 $0x1  }
0x4d: {  	[sflag:s31] =	ssyncpa.u1 $0x1  }
0x4e: {  	p0 =	sne.s32 s1, $0x0;
	_ =	strace $0x90000047  }
0x4f: {  	s0 =	sadd.s32 @!p0 $0x100000, s0;
	[bflag:$0x2] =	sbarrier.arrive $0xFFFF  }
0x50: {  	[sflag:s0] =	ssyncadd.tile.s32 @!p0 $0x1;
	_ =	shalt  }
.Lfunc_end2:
_tile_overlayer_lowered:
.L_overlay_start_2:
0x51: {  	(tag) =	ssettag $0x2  }
0x52: {  	s0 =	rddreg [dreg:$0x0];
	s2 =	stileid.u32  }
0x53: {  	s1 =	rddreg [dreg:$0x1];
	p0 =	sne.s32 s2, $0x0  }
0x54: {  	s3 =	rddreg [dreg:$0x2];
	[bflag:$0x3] =	sbarrier.arrive $0xFFFF;
	s2 =	simm.s32 @!p0 $0x1C01  }
0x55: {  	[timem:s3], [sflag:s2] =	dma.local @!p0 [hbm:s0], s1  }
0x56: {  	s0 =	simm.s32 @!p0 $0x1  }
0x57: {  	_ =	swait.ge @!p0 [sflag:s0], s1  }
0x58: {  	s1 =	ssub.s32 @!p0 $0x0, s1;
	[sflag:s0] =	ssyncset.done @!p0 $0x0  }
0x59: {  	[sflag:s0] =	ssyncadd.s32 @!p0 s1  }
0x5a: {  	[bflag:$0x3] =	sbarrier.arrive $0xFFFF  }
0x5b: {  	_ =	shalt  }

// kernel: gather_offload_async_start
scs
__scs_entry_jumppad:
0x0: {  	(pc) =	sbr.rel $0x88, $3  }
0x1: {  	(tag) =	ssettag $0x0;
	lr =	simm.s32 $0x1  }
0x2: {  	[smem:$0x3F9C] =	sst lr;
	_ =	strace $0xD0000000  }
0x3: {  	_ = 	snop  }
0x4: {  	_ = 	snop  }
0x5: {  	_ = 	snop  }
0x6: {  	_ = 	snop  }
0x7: {  	_ = 	snop  }
__scs_overlays_trampoline_lowered:
0x8: {  	[smem:$0x3FAB] =	sst s0  }
0x9: {  	[smem:$0x3FAC] =	sst s1  }
0xa: {  	[smem:$0x3FAD] =	sst s2  }
0xb: {  	[smem:$0x3FAE] =	sst s3  }
0xc: {  	[smem:$0x3FAF] =	sst s4  }
0xd: {  	[smem:$0x3FB0] =	sst s5  }
0xe: {  	[smem:$0x3FB1] =	sst s6  }
0xf: {  	[smem:$0x3FB2] =	sst s7  }
0x10: {  	[smem:$0x3FB3] =	sst s8  }
0x11: {  	[smem:$0x3FB4] =	sst s9;
	s0 =	simm.s32 @!p0 $0x0  }
0x12: {  	s1 =	sld [smem:$0x3F9A];
	s0 =	simm.s32 @p0 $0x1  }
0x13: {  	[smem:$0x3FB5] =	sst s0;
	s0 =	simm.s32 @!p1 $0x0  }
0x14: {  	s2 =	sld [smem:$0x3F99];
	s0 =	simm.s32 @p1 $0x1  }
0x15: {  	[smem:$0x3FB6] =	sst s0;
	s0 =	simm.s32 @!p2 $0x0  }
0x16: {  	s3 =	sld [smem:$0x3FDB];
	s0 =	simm.s32 @p2 $0x1  }
0x17: {  	s4 =	simm.s32 $0x1BF5;
	[smem:$0x3FB8] =	sst s0  }
0x18: {  	s0 =	sld [smem:$0x3F9B];
	_ =	swait.ge [sflag:s4], $0x0  }
0x19: {  	s7 =	sld [smem:$0x3F9C]  }
0x1a: {  	s8 =	sadd.s32 $0xFFFFE003, lr  }
0x1b: {  	s9 =	sadd.s32 $0xFFFFFEF7, lr;
	s5 =	simm.s32 $0xFFFFFFFF;
	p2 =	slt.u32 s8, $0xFFFFF086  }
0x1c: {  	p1 =	slt.u32 s9, $0xF7A;
	s5 =	simm.s32 @!p2 $0x0  }
0x1d: {  	s5 =	simm.s32 @p1 $0x1;
	p0 =	seq.s32 s7, s2  }
0x1e: {  	s7 =	smul.u32 @!p0 $0xF7A, s2;
	p2 =	seq.s32 @!p0 s5, $0x0  }
0x1f: {  	s9 =	smul.u32 $0xF7A, s1;
	s8 =	simm.s32 @!p0 $0x1BF5;
	p2 =	por !p2, p0  }
0x20: {  	[sflag:s8] =	ssyncset.s32 @!p0 $0xFFFFF086;
	s6 =	sadd.s32 @!p0 s3, s7;
	s7 =	simm.s32 @!p0 $0x108  }
0x21: {  	s3 =	sadd.s32 s3, s9;
	s6 =	sadd.s32 @!p0 $0x88, s6;
	s7 =	simm.s32 @p2 $0x1082  }
0x22: {  	[simem:s7], [sflag:s8] =	dma.local @!p0 [hbm:s6], $0xF7A  }
0x23: {  	s9 =	sor.u32 $0xD0000000, s2;
	s6 =	simm.s32 $0x108;
	_ =	swait.ge @!p0 [sflag:s8], $0x0  }
0x24: {  	s3 =	sadd.s32 $0x88, s3;
	s6 =	simm.s32 @!p1 $0x1082;
	[sflag:s4] =	ssyncset.s32 $0xFFFFF086  }
0x25: {  	[simem:s6], [sflag:s4] =	dma.local [hbm:s3], $0xF7A  }
0x26: {  	[smem:$0x3F9C] =	sst s1;
	(tag) =	ssettag s2;
	_ =	strace s9  }
0x27: {  	s1 =	sld [smem:$0x3FAC]  }
0x28: {  	s2 =	sld [smem:$0x3FAD]  }
0x29: {  	s4 =	sld [smem:$0x3FAF]  }
0x2a: {  	p0 =	seq.s32 s5, $0x0;
	s5 =	sld [smem:$0x3FB0]  }
0x2b: {  	s6 =	sld [smem:$0x3FB1]  }
0x2c: {  	s7 =	sld [smem:$0x3FB2]  }
0x2d: {  	s3 =	simm.s32 $0x108;
	s8 =	sld [smem:$0x3FB3]  }
0x2e: {  	s3 =	simm.s32 @!p0 $0x1082;
	s9 =	sld [smem:$0x3FB4]  }
0x2f: {  	lr =	sadd.s32 s0, s3;
	s0 =	sld [smem:$0x3FAB]  }
0x30: {  	s3 =	sld [smem:$0x3FAE]  }
0x31: {  	[smem:$0x3FB7] =	sst s10  }
0x32: {  	s10 =	sld [smem:$0x3FB5];
	_ =	sdelay $0x3  }
0x33: {  	p0 =	seq.s32 s10, $0x1;
	s10 =	sld [smem:$0x3FB7];
	_ =	sdelay $0x3  }
0x34: {  	[smem:$0x3FB7] =	sst s10  }
0x35: {  	s10 =	sld [smem:$0x3FB6];
	_ =	sdelay $0x3  }
0x36: {  	p1 =	seq.s32 s10, $0x1;
	s10 =	sld [smem:$0x3FB7];
	_ =	sdelay $0x3  }
0x37: {  	[smem:$0x3FB7] =	sst s10  }
0x38: {  	s10 =	sld [smem:$0x3FB8]  }
0x39: {  	_ = 	snop;
	(pc) =	sbr.ind lr, $3  }
0x3a: {  	_ = 	snop  }
0x3b: {  	_ = 	snop  }
0x3c: {  	p2 =	seq.s32 s10, $0x1;
	s10 =	sld [smem:$0x3FB7]  }
0x3d: {  	_ =	shalt  }
0x3e: {  	_ =	shalt  }
0x3f: {  	_ =	shalt  }
0x40: {  	_ =	shalt  }
0x41: {  	_ =	shalt  }
0x42: {  	_ =	shalt  }
0x43: {  	_ =	shalt  }
0x44: {  	_ =	shalt  }
0x45: {  	_ =	shalt  }
0x46: {  	_ =	shalt  }
0x47: {  	_ =	shalt  }
0x48: {  	_ =	shalt  }
0x49: {  	_ =	shalt  }
0x4a: {  	_ =	shalt  }
0x4b: {  	_ =	shalt  }
0x4c: {  	_ =	shalt  }
0x4d: {  	_ =	shalt  }
0x4e: {  	_ =	shalt  }
0x4f: {  	_ =	shalt  }
0x50: {  	_ =	shalt  }
0x51: {  	_ =	shalt  }
0x52: {  	_ =	shalt  }
0x53: {  	_ =	shalt  }
0x54: {  	_ =	shalt  }
0x55: {  	_ =	shalt  }
0x56: {  	_ =	shalt  }
0x57: {  	_ =	shalt  }
0x58: {  	_ =	shalt  }
0x59: {  	_ =	shalt  }
0x5a: {  	_ =	shalt  }
0x5b: {  	_ =	shalt  }
0x5c: {  	_ =	shalt  }
0x5d: {  	_ =	shalt  }
0x5e: {  	_ =	shalt  }
0x5f: {  	_ =	shalt  }
0x60: {  	_ =	shalt  }
0x61: {  	_ =	shalt  }
0x62: {  	_ =	shalt  }
0x63: {  	_ =	shalt  }
0x64: {  	_ =	shalt  }
0x65: {  	_ =	shalt  }
0x66: {  	_ =	shalt  }
0x67: {  	_ =	shalt  }
0x68: {  	_ =	shalt  }
0x69: {  	_ =	shalt  }
0x6a: {  	_ =	shalt  }
0x6b: {  	_ =	shalt  }
0x6c: {  	_ =	shalt  }
0x6d: {  	_ =	shalt  }
0x6e: {  	_ =	shalt  }
0x6f: {  	_ =	shalt  }
0x70: {  	_ =	shalt  }
0x71: {  	_ =	shalt  }
0x72: {  	_ =	shalt  }
0x73: {  	_ =	shalt  }
0x74: {  	_ =	shalt  }
0x75: {  	_ =	shalt  }
0x76: {  	_ =	shalt  }
0x77: {  	_ =	shalt  }
0x78: {  	_ =	shalt  }
0x79: {  	_ =	shalt  }
0x7a: {  	_ =	shalt  }
0x7b: {  	_ =	shalt  }
0x7c: {  	_ =	shalt  }
0x7d: {  	_ =	shalt  }
0x7e: {  	_ =	shalt  }
0x7f: {  	_ =	shalt  }
0x80: {  	_ =	shalt  }
0x81: {  	_ =	shalt  }
0x82: {  	_ =	shalt  }
0x83: {  	_ =	shalt  }
0x84: {  	_ =	shalt  }
0x85: {  	_ =	shalt  }
0x86: {  	_ =	shalt  }
0x87: {  	_ =	shalt  }
.Lfunc_end0:
.L_simem_size_0:
called_computation_lowered:
.L_overlay_start_0:
0x88: {  	s2 =	sld [smem:$0x3FD9]  }
0x89: {  	s3 =	sld [smem:$0x3FFE];
	_ =	sdelay $0x1  }
0x8a: {  	s1 =	srdreg.scid  }
0x8b: {  	s0 =	sand.u32 $0x1, s1  }
0x8c: {  	s17 =	sshll.u32 s0, $0xA;
	s2 =	sadd.s32 s3, s2  }
0x8d: {  	s2 =	sadd.s32 s2, s17  }
0x8e: {  	[smem:$0x3FC3] =	sst s2  }
0x8f: {  	_ = 	snop  }
0x90: {  	s18 =	sld [smem:$0x3FD0];
	(tm) =	ssettm $0x1  }
0x91: {  	s19 =	sld [smem:$0x3FFB];
	_ =	sdelay $0x3  }
0x92: {  	_ =	strace s19  }
0x93: {  	s2 =	sld [smem:$0x3FFC];
	_ =	sdelay $0x3  }
0x94: {  	_ =	strace s2  }
0x95: {  	s2 =	sld [smem:$0x3FFD];
	_ =	sdelay $0x3  }
0x96: {  	_ =	strace s2  }
0x97: {  	_ =	strace $0x8FFFFFFF  }
0x98: {  	s20 =	sld [smem:$0x3FDB];
	_ =	sdelay $0x1  }
0x99: {  	s4 =	simm.s32 $_scs_section_size  }
0x9a: {  	s5 =	simm.s32 $_size__tile_overlayer_lowered;
	s6 =	simm.s32 $_tile_overlayer_lowered  }
0x9b: {  	s7 =	simm.s32 $0x1BFF;
	s21 =	sshll.u32 s6, $0x1;
	s4 =	sadd.s32 s4, s20  }
0x9c: {  	s22 =	simm.s32 $0x0;
	s5 =	sshll.u32 s5, $0x1;
	s6 =	sadd.s32 s21, s4  }
0x9d: {  	[timem:s22], [sflag:s7] =	dma.local [hbm:s6], s5  }
0x9e: {  	_ =	swait.ge [sflag:s7], s5  }
0x9f: {  	s5 =	ssub.s32 $0x0, s5;
	[sflag:s7] =	ssyncset.done $0x0  }
0xa0: {  	[sflag:s7] =	ssyncadd.s32 s5;
	_ =	sdelay $0x1  }
0xa1: {  	s23 =	simm.s32 $0x1B8B  }
0xa2: {  	_ =	swait.ge [sflag:s23], $0x1  }
0xa3: {  	[sflag:s23] =	ssyncset.done $0x0  }
0xa4: {  	[sflag:s23] =	ssyncadd.s32 $0xFFFFFFFF  }
0xa5: {  	s5 =	sld [smem:$0x0]  }
0xa6: {  	s6 =	sand.u32 $0xFFFFFFFE, s1  }
0xa7: {  	p0 =	sne.s32 s1, s6  }
0xa8: {  	s6 =	sshll.u32 @p0 s6, $0xE  }
0xa9: {  	s6 =	sadd.s32 @p0 $0x11B8D, s6;
	s7 =	sshll.u32 @p0 s5, $0x11  }
0xaa: {  	s6 =	sor.u32 @p0 s7, s6  }
0xab: {  	[sflag:s6] =	ssyncadd.remote.s32 @p0 $0x1;
	_ =	sdelay $0x1  }
0xac: {  	s6 =	simm.s32 @p0 $0x1B8D  }
0xad: {  	_ =	swait.eq @p0 [sflag:s6], $0x1  }
0xae: {  	[sflag:s6] =	ssyncadd.s32 @p0 $0xFFFFFFFF  }
0xaf: {  	s7 =	sshll.u32 @!p0 s1, $0xE  }
0xb0: {  	s7 =	sor.u32 @!p0 $0x4000, s7;
	s6 =	simm.s32 @!p0 $0x1B8D  }
0xb1: {  	s5 =	sshll.u32 @!p0 s5, $0x11;
	s7 =	sadd.s32 @!p0 $0x11B8D, s7;
	_ =	swait.eq @!p0 [sflag:s6], $0x1  }
0xb2: {  	s5 =	sor.u32 @!p0 s5, s7;
	[sflag:s6] =	ssyncadd.s32 @!p0 $0xFFFFFFFF  }
0xb3: {  	s25 =	simm.s32 $0x1B8E;
	s24 =	sld [smem:$0x3FFE];
	[sflag:s5] =	ssyncadd.remote.s32 @!p0 $0x1  }
0xb4: {  	s26 =	simm.s32 $execute0_lowered;
	[smem:$0x3FD2] =	sst s25  }
0xb5: {  	s6 =	sshll.u32 s26, $0x1;
	_ =	strace $0x80000049;
	[dreg:$0x1] =	wrdreg $0xFFFFFFFF  }
0xb6: {  	s28 =	simm.s32 $_size_execute0_lowered;
	s4 =	sadd.s32 s4, s6;
	[dreg:$0x0] =	wrdreg $0x0  }
0xb7: {  	s6 =	sshll.u32 s28, $0x1;
	[dreg:$0x2] =	wrdreg s4  }
0xb8: {  	[dreg:$0x3] =	wrdreg s6  }
0xb9: {  	[dreg:$0x4] =	wrdreg $0xC0  }
0xba: {  	_ =	task [dreg:s22], $0x5FFFF  }
0xbb: {  	[dreg:$0x1] =	wrdreg $0xFFFFFFFF  }
0xbc: {  	[dreg:$0x0] =	wrdreg $0x60  }
0xbd: {  	[dreg:$0x2] =	wrdreg s24  }
0xbe: {  	[dreg:$0x3] =	wrdreg s18  }
0xbf: {  	[dreg:$0x4] =	wrdreg $0x9  }
0xc0: {  	_ =	task.clear_ibuf [dreg:s22], $0x5FFFF;
	_ =	strace $0x90000049  }
0xc1: {  	s29 =	simm.s32 $0x9;
	_ =	strace $0x8000004B  }
0xc2: {  	_ =	swait.ge [sflag:s29], $0x1  }
0xc3: {  	[sflag:s29] =	ssyncadd.s32 $0xFFFFFFFF  }
0xc4: {  	_ =	strace $0x9000004B  }
0xc5: {  	_ =	sfence  }
0xc6: {  	s30 =	sld [smem:$0x0];
	_ =	sdelay $0x2  }
0xc7: {  	s31 =	sshll.u32 s1, $0xD;
	s1 =	sshrl.u32 s1, $0x2  }
0xc8: {  	s4 =	sand.u32 $0x4000, s31;
	s1 =	sadd.s32 s1, s30  }
0xc9: {  	s0 =	sor.u32 s4, s0;
	s1 =	sshll.u32 s1, $0x11  }
0xca: {  	s0 =	sor.u32 s1, s0  }
0xcb: {  	s0 =	sadd.s32 $0x8F2B, s0  }
0xcc: {  	[sflag:s0] =	ssyncadd.remote.s32 $0x1  }
0xcd: {  	_ =	sfence.sel $0xFFFF  }
0xce: {  	[dreg:$0x0] =	wrdreg $0xFFFFFFFF;
	(pc) =	sbr.abs _section_cstart, $3  }
0xcf: {  	[dreg:$0x1] =	wrdreg $0xFFFFFFFF  }
0xd0: {  	_ =	task.clear_ibuf [dreg:s22], $0x2FFFF;
	_ =	strace $0x9FFFFFFF  }
0xd1: {  	(tm) =	ssettm $0x7FFFFFFF  }
tec
execute0_lowered:
.L_overlay_start_1:
0x0: {  	(tag) =	ssettag $0x1  }
0x1: {  	s7 =	rddreg [dreg:$0x0]  }
0x2: {  	s2 =	rddreg [dreg:$0x1]  }
0x3: {  	s0 =	rddreg [dreg:$0x2]  }
0x4: {  	s1 =	srdreg.scid;
	_ =	strace $0x8000004A;
	s4 =	simm.s32 $0x1  }
0x5: {  	s9 =	simm.s32 $0x3;
	s11 =	simm.s32 $0x0;
	s5 =	sshll.u32 s1, $0x4  }
.Ltmp0:
0x6: {  	s1 =	stileid.u32;
	s5 =	sand.u32 $0x10, s5;
	(pc) =	sbr.rel .LBB2_1-.Ltmp0, $4  }
0x7: {  	p0 =	por $0x0, $0x0;
	s3 =	sadd.s32 $0x106400, s7;
	s6 =	sor.u32 s1, s5  }
0x8: {  	[sflag:s4] =	ssyncpa.u1 $0x0;
	s5 =	simm.s32 $0x2;
	s6 =	sshll.u32 s6, $0x6  }
0x9: {  	s7 =	sadd.s32 $0x48400, s7;
	[sflag:s5] =	ssyncpa.u1 $0x0;
	s8 =	sadd.s32 $0x40, s6  }
0xa: {  	vm0 =	vmmov $0xff;
	vm1 =	vcmask $0x3F20;
	[sflag:s9] =	ssyncpa.u1 $0x0;
	s10 =	smov.u32 s6;
	s9 =	simm.s32 $0x0  }
.LBB2_9:
0xb: {  	p1 =	slt.u32 s9, $0x2;
	s11 =	sadd.s32 $0x20, s10  }
0xc: {  	s13 =	smov.u32 s6;
	s9 =	sadd.s32 $0x1, s9;
	p2 =	slt.s32 s11, s8  }
0xd: {  	s13 =	smov.u32 @p2 s11;
	p2 =	sne.s32 s9, $0x4  }
.Ltmp1:
0xe: {  	_ = 	snop;
	(pc) =	sbr.rel @!p2 .LBB2_10-.Ltmp1, $4  }
0xf: {  	s12 =	simm.s32 @!p1 $0x3  }
0x10: {  	_ =	swait.ge @!p1 [sflag:s12], $0x8000  }
0x11: {  	p0 =	por !p0, !p0;
	[sflag:s12] =	ssyncset.done @!p1 $0x0  }
0x12: {  	s11 =	smov.u32 s10;
	s10 =	smov.u32 s13;
	[sflag:s12] =	ssyncadd.s32 @!p1 $0xFFFF8000  }
.LBB2_1:
0x13: {  	p1 =	sgt.u32 s9, $0x1  }
0x14: {  	s12 =	sshll.u32 @!p1 s9, $0x5;
	s13 =	sshrl.u32 @!p1 s10, $0x3  }
0x15: {  	s14 =	sand.u32 @!p1 $0x7, s10;
	s12 =	sxor.u32 @!p1 $0x20, s12;
	s13 =	sadd.s32 @!p1 s7, s13  }
0x16: {  	[tilespmem:s12], [sflag:$0x2] =	stream.linear.gather @!p1 [hbm4b:s13+s14], $0x20, $0x38;
	[tilespmem:$0x10040] =	vst v63  }
0x17: {  	p1 =	seq.s32 s9, $0x0  }
0x18: {  	p2 =	seq.s32 @!p1 s9, $0x3  }
0x19: {  	p1 =	por p1, p2  }
.Ltmp2:
0x1a: {  	_ = 	snop;
	(pc) =	sbr.rel @p1 .LBB2_9-.Ltmp2, $1  }
0x1b: {  	_ =	sdelay $0x3  }
0x1c: {  	s12 =	simm.s32 $0x1  }
0x1d: {  	_ =	swait.ge [sflag:s5], $0x20;
	s13 =	sand.u32 $0x1, s9;
	s12 =	simm.s32 @!p0 $0x0  }
0x1e: {  	s15 =	simm.s32 $0x0;
	p2 =	por $0x1, $0x1;
	s12 =	sshll.u32 s12, $0x11  }
0x1f: {  	[sflag:s5] =	ssyncset.done $0x0;
	s13 =	sshll.u32 s13, $0x5;
	s14 =	sshrl.u32 s12, $0x2  }
0x20: {  	[sflag:s5] =	ssyncadd.s32 $0xFFFFFFE0;
	s12 =	sor.u32 $0x40, s14;
	s14 =	sadd.s32 $0x40, s14  }
.LBB2_3:
0x21: {  	s16 =	sshll.u32 s15, $0x4  }
0x22: {  	s16 =	sand.u32 $0x3FFFFFF0, s16  }
0x23: {  	s16 =	sadd.s32 s16, s13  }
0x24: {  	v0 =	vld.msk [tilespmem:s16+$0x0 ss:$0x1], $0xffff;
	_ =	sdelay $0x4  }
0x25: {  	vm2 =	vgt.s32 v0, $0x0  }
0x26: {  	v0 =	vnsel vm2, $0x0, v0  }
0x27: {  	v0 =	vmin.u32 v0, $0x1FBF  }
0x28: {  	v1 =	vshll.u32 v0, $0x7;
	v0 =	vshll.u32 v0, $0x4  }
0x29: {  	v1 =	vand.u32 $0xFFC00, v1;
	v0 =	vand.u32 $0x70, v0  }
0x2a: {  	v0 =	vor.u32 v0, v1  }
0x2b: {  	s31 =	sshll.u32 s15, $0x10  }
0x2c: {  	s15 =	sshra.s32 s31, $0x2  }
0x2d: {  	s15 =	sadd.s32 s15, s14  }
0x2e: {  	s17 =	sadd.s32 $0x0, s15  }
0x2f: {  	[tilespmem:s17], [sflag:$0x1] =	stream.indirect_vreg.gather [hbm:s3], $0x80, v0, vm0, $0x38;
	[tilespmem:$0x10040] =	vst v63  }
0x30: {  	p1 =	por p2, p2;
	s16 =	simm.s32 $0x1000;
	v1 =	vadd.s32 $0x80, v0;
	s17 =	sadd.s32 $0x2000, s17  }
.LBB2_4:
0x31: {  	[tilespmem:s17], [sflag:$0x1] =	stream.indirect_vreg.gather [hbm:s3], $0x80, v0, vm1, $0x38;
	[tilespmem:$0x10040] =	vst v63  }
0x32: {  	v0 =	vmov v1;
	s17 =	smov.u32 s16;
	p2 =	sne.s32 s16, $0x7000  }
.Ltmp3:
0x33: {  	s16 =	sadd.s32 $0x1000, s16;
	(pc) =	sbr.rel @p2 .LBB2_4-.Ltmp3, $4  }
0x34: {  	s17 =	sshra.s32 s17, $0x2  }
0x35: {  	s17 =	sadd.s32 s17, s15  }
0x36: {  	[tilespmem:s17], [sflag:$0x1] =	stream.indirect_vreg.gather [hbm:s3], $0x80, v1, vm0, $0x38;
	[tilespmem:$0x10040] =	vst v63  }
0x37: {  	s17 =	sadd.s32 $0x2000, s17;
	v1 =	vadd.s32 $0x80, v1  }
0x38: {  	_ = 	snop  }
.Ltmp4:
0x39: {  	_ = 	snop;
	(pc) =	sbr.rel @p1 .LBB2_3-.Ltmp4, $3  }
0x3a: {  	_ =	sdelay $0x1  }
0x3b: {  	[tilespmem:s17], [sflag:$0x1] =	stream.indirect_vreg.gather [hbm:s3], $0x80, v0, vm1, $0x38;
	[tilespmem:$0x10040] =	vst v63  }
0x3c: {  	s15 =	simm.s32 $0x1;
	p2 =	por $0x0, $0x0  }
0x3d: {  	s13 =	sshll.u32 s11, $0x7  }
0x3e: {  	s31 =	sshll.u32 s11, $0x4;
	s13 =	sand.u32 $0xFFFFFC00, s13  }
0x3f: {  	_ =	swait.ge [sflag:s4], $0x8000;
	s11 =	sand.u32 $0x70, s31;
	s13 =	sadd.s32 s13, s2  }
0x40: {  	s14 =	sadd.s32 $0x2000, s12;
	[sflag:s4] =	ssyncset.done $0x0;
	s11 =	sadd.s32 s11, s13  }
0x41: {  	[sflag:s4] =	ssyncadd.s32 $0xFFFF8000;
	s13 =	simm.s32 $0x400;
	s15 =	sadd.s32 $0x0, s11  }
.LBB2_7:
0x42: {  	[hbm:s15] =	stream.linear.scatter [tilespmem:s12], [sflag:$0x3], $0x2000, $0x38;
	[tilespmem:$0x10040] =	vst v63  }
0x43: {  	s15 =	smov.u32 s13;
	s12 =	smov.u32 s14;
	p1 =	sne.s32 s13, $0xC00  }
.Ltmp5:
0x44: {  	s13 =	sadd.s32 $0x400, s13;
	(pc) =	sbr.rel @p1 .LBB2_7-.Ltmp5, $2  }
0x45: {  	_ =	sdelay $0x2  }
0x46: {  	s14 =	sadd.s32 $0x2000, s14;
	s15 =	sadd.s32 s15, s11  }
.Ltmp6:
0x47: {  	(pc) =	sbr.rel .LBB2_9-.Ltmp6, $2  }
0x48: {  	_ =	sdelay $0x2  }
0x49: {  	[hbm:s15] =	stream.linear.scatter [tilespmem:s12], [sflag:$0x3], $0x2000, $0x38;
	[tilespmem:$0x10040] =	vst v63  }
.LBB2_10:
0x4a: {  	_ =	sfence.sel $0x180000  }
0x4b: {  	s2 =	simm.s32 $0x2;
	[bflag:$0x0] =	sbarrier.arrive $0xFFFF  }
0x4c: {  	s30 =	simm.s32 $0x3;
	[sflag:s2] =	ssyncpa.u1 $0x1  }
0x4d: {  	s31 =	simm.s32 $0x1;
	[sflag:s30] =	ssyncpa.u1 $0x1  }
0x4e: {  	[sflag:s31] =	ssyncpa.u1 $0x1  }
0x4f: {  	p0 =	sne.s32 s1, $0x0;
	_ =	strace $0x9000004A  }
0x50: {  	s0 =	sadd.s32 @!p0 $0x100000, s0;
	[bflag:$0x2] =	sbarrier.arrive $0xFFFF  }
0x51: {  	[sflag:s0] =	ssyncadd.tile.s32 @!p0 $0x1;
	_ =	shalt  }
.Lfunc_end2:
_tile_overlayer_lowered:
.L_overlay_start_2:
0x52: {  	(tag) =	ssettag $0x2  }
0x53: {  	s0 =	rddreg [dreg:$0x0];
	s2 =	stileid.u32  }
0x54: {  	s1 =	rddreg [dreg:$0x1];
	p0 =	sne.s32 s2, $0x0  }
0x55: {  	s3 =	rddreg [dreg:$0x2];
	[bflag:$0x3] =	sbarrier.arrive $0xFFFF;
	s2 =	simm.s32 @!p0 $0x1C01  }
0x56: {  	[timem:s3], [sflag:s2] =	dma.local @!p0 [hbm:s0], s1  }
0x57: {  	s0 =	simm.s32 @!p0 $0x1  }
0x58: {  	_ =	swait.ge @!p0 [sflag:s0], s1  }
0x59: {  	s1 =	ssub.s32 @!p0 $0x0, s1;
	[sflag:s0] =	ssyncset.done @!p0 $0x0  }
0x5a: {  	[sflag:s0] =	ssyncadd.s32 @!p0 s1  }
0x5b: {  	[bflag:$0x3] =	sbarrier.arrive $0xFFFF  }
0x5c: {  	_ =	shalt  }

</sc_bundles>
